<compile_context>
chip_gen: v7x
topology: tpu7x:2x2x1
jax: 0.10.2.dev20260603
libtpu: 0.0.44.dev20260713+nightly
codegen_flags: <defaults>
</compile_context>

<pallas_src>
import functools

import jax
import jax.numpy as jnp
from jax import lax
from jax.experimental import pallas as pl
from jax.experimental.pallas import tpu as pltpu
from jax.experimental.pallas import tpu_sc as plsc

N_NODES = 10000
N_EDGES = 320000
D_FEAT = 128
NUM_NODE_TYPES = 8
OUT_CH = 128

NP_ = 10240
NC = 2
NS = 16
NW = NC * NS
EPT = N_EDGES // NS
CH = 128
NCH = 158
RPT = NP_ // NS
RB = 1280
GRID = NP_ // RB


def _proj_body(x_ref, ids_ref, wl_ref, wr_ref, tl_ref, tr_ref, p_ref, r_ref):
    x = x_ref[...]
    oh = (ids_ref[...] == lax.broadcasted_iota(jnp.int32, (RB, NUM_NODE_TYPES), 1)
          ).astype(jnp.float32)
    p_ref[...] = (jnp.dot(x, wl_ref[...], preferred_element_type=jnp.float32)
                  + jnp.dot(oh, tl_ref[...], preferred_element_type=jnp.float32))
    r_ref[...] = (jnp.dot(x, wr_ref[...], preferred_element_type=jnp.float32)
                  + jnp.dot(oh, tr_ref[...], preferred_element_type=jnp.float32))


_proj = pl.pallas_call(
    _proj_body,
    grid=(GRID,),
    in_specs=[
        pl.BlockSpec((RB, D_FEAT), lambda i: (i, 0)),
        pl.BlockSpec((RB, 1), lambda i: (i, 0)),
        pl.BlockSpec((D_FEAT, OUT_CH), lambda i: (0, 0)),
        pl.BlockSpec((D_FEAT, OUT_CH), lambda i: (0, 0)),
        pl.BlockSpec((NUM_NODE_TYPES, OUT_CH), lambda i: (0, 0)),
        pl.BlockSpec((NUM_NODE_TYPES, OUT_CH), lambda i: (0, 0)),
    ],
    out_specs=[pl.BlockSpec((RB, OUT_CH), lambda i: (i, 0))] * 2,
    out_shape=[jax.ShapeDtypeStruct((NP_, OUT_CH), jnp.float32)] * 2,
)


def _sc_body(p_hbm, pk_hbm, agg_hbm,
             acc, rows0, rows1, i0, i1, sem0, sem1):
    c = lax.axis_index("c")
    s = lax.axis_index("s")
    cbase = s * NCH
    zero16 = jnp.zeros((16,), jnp.float32)
    ones16 = jnp.ones((16,), jnp.float32)

    def _zb(i, carry):
        for j in range(OUT_CH // 16):
            rows0[i, pl.ds(j * 16, 16)] = zero16
        return carry
    lax.fori_loop(0, CH, _zb, None)
    nz = RPT // CH
    for j in range(nz):
        pltpu.sync_copy(rows0, acc.at[pl.ds(s * RPT + j * CH, CH)])
    zrem = RPT - nz * CH
    if zrem:
        pltpu.sync_copy(rows0.at[pl.ds(0, zrem)],
                        acc.at[pl.ds(s * RPT + nz * CH, zrem)])

    @pl.when(c == 1)
    def _():
        def _ob(i, carry):
            for j in range(OUT_CH // 16):
                rows0[i, pl.ds(j * 16, 16)] = ones16
            return carry
        lax.fori_loop(0, CH, _ob, None)

    plsc.subcore_barrier()

    @pl.when(c == 0)
    def _():
        pltpu.sync_copy(pk_hbm.at[cbase], i0)
        pltpu.async_copy(p_hbm.at[i0.at[0]], rows0, sem0)

        def _pair(t, carry):
            pltpu.sync_copy(pk_hbm.at[cbase + 2 * t + 1], i1)
            pltpu.async_copy(p_hbm.at[i1.at[0]], rows1, sem1)
            pltpu.make_async_copy(p_hbm.at[i0.at[0]], rows0, sem0).wait()
            pltpu.sync_copy(rows0, acc.at[i0.at[1]], add=True)
            pltpu.sync_copy(pk_hbm.at[cbase + 2 * t + 2], i0)
            pltpu.async_copy(p_hbm.at[i0.at[0]], rows0, sem0)
            pltpu.make_async_copy(p_hbm.at[i1.at[0]], rows1, sem1).wait()
            pltpu.sync_copy(rows1, acc.at[i1.at[1]], add=True)
            return carry
        lax.fori_loop(0, NCH // 2, _pair, None)
        pltpu.make_async_copy(p_hbm.at[i0.at[0]], rows0, sem0).wait()

    @pl.when(c == 1)
    def _():
        def _one(g, carry):
            pltpu.sync_copy(pk_hbm.at[cbase + g], i0)
            pltpu.sync_copy(rows0, acc.at[i0.at[1]], add=True)
            return carry
        lax.fori_loop(0, NCH, _one, None)

    plsc.subcore_barrier()

    pltpu.sync_copy(acc.at[pl.ds(s * RPT, RPT)],
                    agg_hbm.at[pl.ds(c * NP_ + s * RPT, RPT)])


_sc_agg = functools.partial(
    pl.kernel,
    mesh=plsc.VectorSubcoreMesh(core_axis_name="c", subcore_axis_name="s"),
    out_type=jax.ShapeDtypeStruct((NC * NP_, OUT_CH), jnp.float32),
    scratch_types=[
        pltpu.VMEM_SHARED((NP_, OUT_CH), jnp.float32),
        pltpu.VMEM((CH, OUT_CH), jnp.float32),
        pltpu.VMEM((CH, OUT_CH), jnp.float32),
        pltpu.VMEM((2, CH), jnp.int32),
        pltpu.VMEM((2, CH), jnp.int32),
        pltpu.SemaphoreType.DMA,
        pltpu.SemaphoreType.DMA,
    ],
)(_sc_body)


def _final_body(agg_ref, r_ref, o_ref):
    a = agg_ref[0]
    cnt = agg_ref[1][:, 0:1]
    o_ref[...] = jnp.maximum(a / jnp.maximum(cnt, 1.0) + r_ref[...], 0.0)


_final = pl.pallas_call(
    _final_body,
    grid=(GRID,),
    in_specs=[
        pl.BlockSpec((NC, RB, OUT_CH), lambda i: (0, i, 0)),
        pl.BlockSpec((RB, OUT_CH), lambda i: (i, 0)),
    ],
    out_specs=pl.BlockSpec((RB, OUT_CH), lambda i: (i, 0)),
    out_shape=jax.ShapeDtypeStruct((NP_, OUT_CH), jnp.float32),
)


def kernel(x, node_type_ids, edge_index, type_emb, W_l, b_l, W_r):
    ids = node_type_ids.astype(jnp.int32)
    srcp = jnp.pad(edge_index[0].astype(jnp.int32), (0, NCH * CH))
    dstp = jnp.pad(edge_index[1].astype(jnp.int32), (0, NCH * CH))
    pos = jnp.arange(NCH * CH)
    eidx = jnp.arange(NS)[:, None] * EPT + pos[None, :]
    valid = (pos < EPT)[None, :]
    srcg = jnp.where(valid, srcp[eidx], 0).reshape(NS, NCH, CH)
    dstg = jnp.where(valid, dstp[eidx], NP_ - 1).reshape(NS, NCH, CH)
    packed = jnp.pad(jnp.stack([srcg, dstg], axis=2).reshape(NS * NCH, 2, CH),
                     ((0, 1), (0, 0), (0, 0)))
    wl_x = W_l[:, :D_FEAT].T
    wr_x = W_r[:, :D_FEAT].T
    tl = type_emb @ W_l[:, D_FEAT:].T
    tr = type_emb @ W_r[:, D_FEAT:].T + b_l[None, :]
    xp = jnp.pad(x, ((0, NP_ - N_NODES), (0, 0)))
    idsp = jnp.pad(ids, (0, NP_ - N_NODES))[:, None]
    p, r = _proj(xp, idsp, wl_x, wr_x, tl, tr)
    agg = _sc_agg(p, packed)
    out = _final(agg.reshape(NC, NP_, OUT_CH), r)
    return out[:N_NODES]

# --- scband reference (transcript-rebuilt; emitter-appended) ---
"""Pipeline reference for scband-hetero-graph-sage-52183852646755 (READ-ONLY COPY).

The authoritative reference and input builder live on the scoring server;
editing this copy changes nothing except your own understanding.
"""

import jax, jax.numpy as jnp
import numpy as np

N_NODES = 10000
N_EDGES = 320000
D_FEAT = 128
TYPE_EMB_DIM = 32
NUM_NODE_TYPES = 8
OUT_CH = 128
IN_CAT = D_FEAT + TYPE_EMB_DIM  # 160


def setup_inputs(seed: int = 0) -> dict:
    key = jax.random.key(seed)
    k1, k2, k3, k4, k5, k6 = jax.random.split(key, 6)
    x = jax.random.normal(k1, (N_NODES, D_FEAT), dtype=jnp.float32)
    node_type_ids = jax.random.randint(k2, (N_NODES,), 0, NUM_NODE_TYPES, dtype=jnp.int64)
    edge_index = jax.random.randint(k3, (2, N_EDGES), 0, N_NODES, dtype=jnp.int64)
    # learned parameters
    type_emb = jax.random.normal(k4, (NUM_NODE_TYPES, TYPE_EMB_DIM), dtype=jnp.float32)
    W_l = jax.random.normal(k5, (OUT_CH, IN_CAT), dtype=jnp.float32) * 0.05  # neighbor lin (with bias)
    b_l = jnp.zeros((OUT_CH,), dtype=jnp.float32)
    W_r = jax.random.normal(k6, (OUT_CH, IN_CAT), dtype=jnp.float32) * 0.05  # root lin
    return {"x": x, "node_type_ids": node_type_ids, "edge_index": edge_index,
            "type_emb": type_emb, "W_l": W_l, "b_l": b_l, "W_r": W_r}


def reference(x, node_type_ids, edge_index, type_emb, W_l, b_l, W_r):
    # 1) node-type embedding lookup + concat with features
    emb = jnp.take(type_emb, node_type_ids, axis=0)          # [N, 32]
    h = jnp.concatenate([x, emb], axis=1)                     # [N, 160]
    # 2) SAGEConv with mean neighbor aggregation (single ('node','to','node') relation,
    #    so HeteroConv inter-relation aggregation is identity)
    src = edge_index[0]
    dst = edge_index[1]
    msgs = jnp.take(h, src, axis=0)                           # [E, 160] gather
    agg = jax.ops.segment_sum(msgs, dst, num_segments=N_NODES)  # scatter-add
    cnt = jax.ops.segment_sum(jnp.ones((msgs.shape[0],), jnp.float32), dst, num_segments=N_NODES)
    agg = agg / jnp.maximum(cnt, 1.0)[:, None]                # mean aggregation
    out = agg @ W_l.T + b_l + h @ W_r.T                       # lin_l(agg) + lin_r(x)
    # 3) relu + dropout (eval mode -> identity)
    out = jax.nn.relu(out)
    return out

if __name__ == "__main__":
    import jax
    _d = setup_inputs()
    print(jax.jit(kernel)(*tuple(_d.values())))

</pallas_src>

<mosaic_0001>
#map = affine_map<(d0, d1) -> (0, 0)>
#map1 = affine_map<(d0, d1) -> (0, 0, 0)>
module attributes {stable_mosaic.version = 14 : i64} {
  func.func @_sc_body(%arg0: i32, %arg1: i32, %arg2: memref<10240x128xf32, #tpu.memory_space<hbm>>, %arg3: memref<2529x2x128xi32, #tpu.memory_space<hbm>>, %arg4: memref<20480x128xf32, #tpu.memory_space<hbm>>, %arg5: memref<10240x128xf32, #tpu.memory_space<vmem_shared>>, %arg6: memref<128x128xf32, #tpu.memory_space<vmem>>, %arg7: memref<128x128xf32, #tpu.memory_space<vmem>>, %arg8: memref<2x128xi32, #tpu.memory_space<vmem>>, %arg9: memref<2x128xi32, #tpu.memory_space<vmem>>, %arg10: memref<!tpu.dma_semaphore, #tpu.memory_space<semaphore_mem>>, %arg11: memref<!tpu.dma_semaphore, #tpu.memory_space<semaphore_mem>>) attributes {dimension_semantics = [#tpu.dimension_semantics<core_parallel>, #tpu.dimension_semantics<subcore_parallel>], iteration_bounds = array<i64: 2, 16>, scalar_prefetch = 0 : i64, scratch_operands = 7 : i64, tpu.core_type = #tpu.core_type<sc_vector_subcore>, window_params = [{transform_indices = #map}, {transform_indices = #map1}, {transform_indices = #map}]} {
    %mul3A = arith.constant 158 : i32
    %mul3A_0 = arith.muli %arg1, %mul3A : i32
    %broadcast_in_dim3A = arith.constant 0.000000e+00 : f32
    %broadcast_in_dim3A_1 = vector.broadcast %broadcast_in_dim3A : f32 to vector<16xf32>
    %broadcast_in_dim3A_2 = arith.constant 1.000000e+00 : f32
    %broadcast_in_dim3A_3 = vector.broadcast %broadcast_in_dim3A_2 : f32 to vector<16xf32>
    %scan3A = arith.constant 0 : i32
    %scan3A_4 = arith.constant 128 : i32
    %scan3A_5 = arith.addi %scan3A, %scan3A_4 : i32
    %scan3A_6 = arith.constant 1 : i32
    scf.for %scan3A_47 = %scan3A to %scan3A_5 step %scan3A_6  : i32 {
      %swap3A = arith.index_cast %scan3A_47 : i32 to index
      %swap3A_48 = arith.constant 0 : index
      %swap3A_49 = tpu.vector_load %arg6[%swap3A, %swap3A_48] {strides = array<i32>} : memref<128x128xf32, #tpu.memory_space<vmem>>, vector<1x16xf32>,
      %swap3A_50 = vector.shape_cast %swap3A_49 : vector<1x16xf32> to vector<16xf32>
      %swap3A_51 = vector.shape_cast %broadcast_in_dim3A_1 : vector<16xf32> to vector<1x16xf32>
      tpu.vector_store %arg6[%swap3A, %swap3A_48], %swap3A_51 {strides = array<i32>} : memref<128x128xf32, #tpu.memory_space<vmem>>, vector<1x16xf32>,
      %swap3A_52 = arith.index_cast %scan3A_47 : i32 to index
      %swap3A_53 = arith.constant 16 : index
      %swap3A_54 = tpu.vector_load %arg6[%swap3A_52, %swap3A_53] {strides = array<i32>} : memref<128x128xf32, #tpu.memory_space<vmem>>, vector<1x16xf32>,
      %swap3A_55 = vector.shape_cast %swap3A_54 : vector<1x16xf32> to vector<16xf32>
      %swap3A_56 = vector.shape_cast %broadcast_in_dim3A_1 : vector<16xf32> to vector<1x16xf32>
      tpu.vector_store %arg6[%swap3A_52, %swap3A_53], %swap3A_56 {strides = array<i32>} : memref<128x128xf32, #tpu.memory_space<vmem>>, vector<1x16xf32>,
      %swap3A_57 = arith.index_cast %scan3A_47 : i32 to index
      %swap3A_58 = arith.constant 32 : index
      %swap3A_59 = tpu.vector_load %arg6[%swap3A_57, %swap3A_58] {strides = array<i32>} : memref<128x128xf32, #tpu.memory_space<vmem>>, vector<1x16xf32>,
      %swap3A_60 = vector.shape_cast %swap3A_59 : vector<1x16xf32> to vector<16xf32>
      %swap3A_61 = vector.shape_cast %broadcast_in_dim3A_1 : vector<16xf32> to vector<1x16xf32>
      tpu.vector_store %arg6[%swap3A_57, %swap3A_58], %swap3A_61 {strides = array<i32>} : memref<128x128xf32, #tpu.memory_space<vmem>>, vector<1x16xf32>,
      %swap3A_62 = arith.index_cast %scan3A_47 : i32 to index
      %swap3A_63 = arith.constant 48 : index
      %swap3A_64 = tpu.vector_load %arg6[%swap3A_62, %swap3A_63] {strides = array<i32>} : memref<128x128xf32, #tpu.memory_space<vmem>>, vector<1x16xf32>,
      %swap3A_65 = vector.shape_cast %swap3A_64 : vector<1x16xf32> to vector<16xf32>
      %swap3A_66 = vector.shape_cast %broadcast_in_dim3A_1 : vector<16xf32> to vector<1x16xf32>
      tpu.vector_store %arg6[%swap3A_62, %swap3A_63], %swap3A_66 {strides = array<i32>} : memref<128x128xf32, #tpu.memory_space<vmem>>, vector<1x16xf32>,
      %swap3A_67 = arith.index_cast %scan3A_47 : i32 to index
      %swap3A_68 = arith.constant 64 : index
      %swap3A_69 = tpu.vector_load %arg6[%swap3A_67, %swap3A_68] {strides = array<i32>} : memref<128x128xf32, #tpu.memory_space<vmem>>, vector<1x16xf32>,
      %swap3A_70 = vector.shape_cast %swap3A_69 : vector<1x16xf32> to vector<16xf32>
      %swap3A_71 = vector.shape_cast %broadcast_in_dim3A_1 : vector<16xf32> to vector<1x16xf32>
      tpu.vector_store %arg6[%swap3A_67, %swap3A_68], %swap3A_71 {strides = array<i32>} : memref<128x128xf32, #tpu.memory_space<vmem>>, vector<1x16xf32>,
      %swap3A_72 = arith.index_cast %scan3A_47 : i32 to index
      %swap3A_73 = arith.constant 80 : index
      %swap3A_74 = tpu.vector_load %arg6[%swap3A_72, %swap3A_73] {strides = array<i32>} : memref<128x128xf32, #tpu.memory_space<vmem>>, vector<1x16xf32>,
      %swap3A_75 = vector.shape_cast %swap3A_74 : vector<1x16xf32> to vector<16xf32>
      %swap3A_76 = vector.shape_cast %broadcast_in_dim3A_1 : vector<16xf32> to vector<1x16xf32>
      tpu.vector_store %arg6[%swap3A_72, %swap3A_73], %swap3A_76 {strides = array<i32>} : memref<128x128xf32, #tpu.memory_space<vmem>>, vector<1x16xf32>,
      %swap3A_77 = arith.index_cast %scan3A_47 : i32 to index
      %swap3A_78 = arith.constant 96 : index
      %swap3A_79 = tpu.vector_load %arg6[%swap3A_77, %swap3A_78] {strides = array<i32>} : memref<128x128xf32, #tpu.memory_space<vmem>>, vector<1x16xf32>,
      %swap3A_80 = vector.shape_cast %swap3A_79 : vector<1x16xf32> to vector<16xf32>
      %swap3A_81 = vector.shape_cast %broadcast_in_dim3A_1 : vector<16xf32> to vector<1x16xf32>
      tpu.vector_store %arg6[%swap3A_77, %swap3A_78], %swap3A_81 {strides = array<i32>} : memref<128x128xf32, #tpu.memory_space<vmem>>, vector<1x16xf32>,
      %swap3A_82 = arith.index_cast %scan3A_47 : i32 to index
      %swap3A_83 = arith.constant 112 : index
      %swap3A_84 = tpu.vector_load %arg6[%swap3A_82, %swap3A_83] {strides = array<i32>} : memref<128x128xf32, #tpu.memory_space<vmem>>, vector<1x16xf32>,
      %swap3A_85 = vector.shape_cast %swap3A_84 : vector<1x16xf32> to vector<16xf32>
      %swap3A_86 = vector.shape_cast %broadcast_in_dim3A_1 : vector<16xf32> to vector<1x16xf32>
      tpu.vector_store %arg6[%swap3A_82, %swap3A_83], %swap3A_86 {strides = array<i32>} : memref<128x128xf32, #tpu.memory_space<vmem>>, vector<1x16xf32>,
    }
    %scan3A_7 = arith.constant 128 : i32
    %mul3A_8 = arith.constant 640 : i32
    %mul3A_9 = arith.muli %arg1, %mul3A_8 : i32
    %add3A = arith.constant 0 : i32
    %add3A_10 = arith.addi %mul3A_9, %add3A : i32
    "tpu.region"() ({
      %run_scoped3A = tpu.sem_alloc : memref<!tpu.dma_semaphore, #tpu.memory_space<semaphore_mem>>
      %dma_start3A = arith.constant 0 : i32
      %dma_start3A_47 = tpu.memref_slice %arg5[%add3A_10, %dma_start3A] : memref<10240x128xf32, #tpu.memory_space<vmem_shared>> -> memref<128x128xf32, #tpu.memory_space<vmem_shared>>
      %dma_start3A_48 = arith.constant 0 : i32
      %dma_start3A_49 = tpu.memref_slice %arg5[%add3A_10, %dma_start3A_48] : memref<10240x128xf32, #tpu.memory_space<vmem_shared>> -> memref<128x128xf32, #tpu.memory_space<vmem_shared>>
      tpu.enqueue_dma source(%arg6 : memref<128x128xf32, #tpu.memory_space<vmem>>) target(%dma_start3A_49 : memref<128x128xf32, #tpu.memory_space<vmem_shared>>) target_semaphore(%run_scoped3A : memref<!tpu.dma_semaphore, #tpu.memory_space<semaphore_mem>>)
      %dma_wait3A = arith.constant 0 : i32
      %dma_wait3A_50 = tpu.memref_slice %arg5[%add3A_10, %dma_wait3A] : memref<10240x128xf32, #tpu.memory_space<vmem_shared>> -> memref<128x128xf32, #tpu.memory_space<vmem_shared>>
      %dma_wait3A_51 = arith.constant 0 : i32
      %dma_wait3A_52 = tpu.memref_slice %arg5[%add3A_10, %dma_wait3A_51] : memref<10240x128xf32, #tpu.memory_space<vmem_shared>> -> memref<128x128xf32, #tpu.memory_space<vmem_shared>>
      tpu.wait_dma2 semaphore(%run_scoped3A : memref<!tpu.dma_semaphore, #tpu.memory_space<semaphore_mem>>) src(%arg6 : memref<128x128xf32, #tpu.memory_space<vmem>>) dst(%dma_wait3A_52 : memref<128x128xf32, #tpu.memory_space<vmem_shared>>)
      tpu.yield
    }) : () -> ()
    %mul3A_11 = arith.constant 640 : i32
    %mul3A_12 = arith.muli %arg1, %mul3A_11 : i32
    %add3A_13 = arith.constant 128 : i32
    %add3A_14 = arith.addi %mul3A_12, %add3A_13 : i32
    "tpu.region"() ({
      %run_scoped3A = tpu.sem_alloc : memref<!tpu.dma_semaphore, #tpu.memory_space<semaphore_mem>>
      %dma_start3A = arith.constant 0 : i32
      %dma_start3A_47 = tpu.memref_slice %arg5[%add3A_14, %dma_start3A] : memref<10240x128xf32, #tpu.memory_space<vmem_shared>> -> memref<128x128xf32, #tpu.memory_space<vmem_shared>>
      %dma_start3A_48 = arith.constant 0 : i32
      %dma_start3A_49 = tpu.memref_slice %arg5[%add3A_14, %dma_start3A_48] : memref<10240x128xf32, #tpu.memory_space<vmem_shared>> -> memref<128x128xf32, #tpu.memory_space<vmem_shared>>
      tpu.enqueue_dma source(%arg6 : memref<128x128xf32, #tpu.memory_space<vmem>>) target(%dma_start3A_49 : memref<128x128xf32, #tpu.memory_space<vmem_shared>>) target_semaphore(%run_scoped3A : memref<!tpu.dma_semaphore, #tpu.memory_space<semaphore_mem>>)
      %dma_wait3A = arith.constant 0 : i32
      %dma_wait3A_50 = tpu.memref_slice %arg5[%add3A_14, %dma_wait3A] : memref<10240x128xf32, #tpu.memory_space<vmem_shared>> -> memref<128x128xf32, #tpu.memory_space<vmem_shared>>
      %dma_wait3A_51 = arith.constant 0 : i32
      %dma_wait3A_52 = tpu.memref_slice %arg5[%add3A_14, %dma_wait3A_51] : memref<10240x128xf32, #tpu.memory_space<vmem_shared>> -> memref<128x128xf32, #tpu.memory_space<vmem_shared>>
      tpu.wait_dma2 semaphore(%run_scoped3A : memref<!tpu.dma_semaphore, #tpu.memory_space<semaphore_mem>>) src(%arg6 : memref<128x128xf32, #tpu.memory_space<vmem>>) dst(%dma_wait3A_52 : memref<128x128xf32, #tpu.memory_space<vmem_shared>>)
      tpu.yield
    }) : () -> ()
    %mul3A_15 = arith.constant 640 : i32
    %mul3A_16 = arith.muli %arg1, %mul3A_15 : i32
    %add3A_17 = arith.constant 256 : i32
    %add3A_18 = arith.addi %mul3A_16, %add3A_17 : i32
    "tpu.region"() ({
      %run_scoped3A = tpu.sem_alloc : memref<!tpu.dma_semaphore, #tpu.memory_space<semaphore_mem>>
      %dma_start3A = arith.constant 0 : i32
      %dma_start3A_47 = tpu.memref_slice %arg5[%add3A_18, %dma_start3A] : memref<10240x128xf32, #tpu.memory_space<vmem_shared>> -> memref<128x128xf32, #tpu.memory_space<vmem_shared>>
      %dma_start3A_48 = arith.constant 0 : i32
      %dma_start3A_49 = tpu.memref_slice %arg5[%add3A_18, %dma_start3A_48] : memref<10240x128xf32, #tpu.memory_space<vmem_shared>> -> memref<128x128xf32, #tpu.memory_space<vmem_shared>>
      tpu.enqueue_dma source(%arg6 : memref<128x128xf32, #tpu.memory_space<vmem>>) target(%dma_start3A_49 : memref<128x128xf32, #tpu.memory_space<vmem_shared>>) target_semaphore(%run_scoped3A : memref<!tpu.dma_semaphore, #tpu.memory_space<semaphore_mem>>)
      %dma_wait3A = arith.constant 0 : i32
      %dma_wait3A_50 = tpu.memref_slice %arg5[%add3A_18, %dma_wait3A] : memref<10240x128xf32, #tpu.memory_space<vmem_shared>> -> memref<128x128xf32, #tpu.memory_space<vmem_shared>>
      %dma_wait3A_51 = arith.constant 0 : i32
      %dma_wait3A_52 = tpu.memref_slice %arg5[%add3A_18, %dma_wait3A_51] : memref<10240x128xf32, #tpu.memory_space<vmem_shared>> -> memref<128x128xf32, #tpu.memory_space<vmem_shared>>
      tpu.wait_dma2 semaphore(%run_scoped3A : memref<!tpu.dma_semaphore, #tpu.memory_space<semaphore_mem>>) src(%arg6 : memref<128x128xf32, #tpu.memory_space<vmem>>) dst(%dma_wait3A_52 : memref<128x128xf32, #tpu.memory_space<vmem_shared>>)
      tpu.yield
    }) : () -> ()
    %mul3A_19 = arith.constant 640 : i32
    %mul3A_20 = arith.muli %arg1, %mul3A_19 : i32
    %add3A_21 = arith.constant 384 : i32
    %add3A_22 = arith.addi %mul3A_20, %add3A_21 : i32
    "tpu.region"() ({
      %run_scoped3A = tpu.sem_alloc : memref<!tpu.dma_semaphore, #tpu.memory_space<semaphore_mem>>
      %dma_start3A = arith.constant 0 : i32
      %dma_start3A_47 = tpu.memref_slice %arg5[%add3A_22, %dma_start3A] : memref<10240x128xf32, #tpu.memory_space<vmem_shared>> -> memref<128x128xf32, #tpu.memory_space<vmem_shared>>
      %dma_start3A_48 = arith.constant 0 : i32
      %dma_start3A_49 = tpu.memref_slice %arg5[%add3A_22, %dma_start3A_48] : memref<10240x128xf32, #tpu.memory_space<vmem_shared>> -> memref<128x128xf32, #tpu.memory_space<vmem_shared>>
      tpu.enqueue_dma source(%arg6 : memref<128x128xf32, #tpu.memory_space<vmem>>) target(%dma_start3A_49 : memref<128x128xf32, #tpu.memory_space<vmem_shared>>) target_semaphore(%run_scoped3A : memref<!tpu.dma_semaphore, #tpu.memory_space<semaphore_mem>>)
      %dma_wait3A = arith.constant 0 : i32
      %dma_wait3A_50 = tpu.memref_slice %arg5[%add3A_22, %dma_wait3A] : memref<10240x128xf32, #tpu.memory_space<vmem_shared>> -> memref<128x128xf32, #tpu.memory_space<vmem_shared>>
      %dma_wait3A_51 = arith.constant 0 : i32
      %dma_wait3A_52 = tpu.memref_slice %arg5[%add3A_22, %dma_wait3A_51] : memref<10240x128xf32, #tpu.memory_space<vmem_shared>> -> memref<128x128xf32, #tpu.memory_space<vmem_shared>>
      tpu.wait_dma2 semaphore(%run_scoped3A : memref<!tpu.dma_semaphore, #tpu.memory_space<semaphore_mem>>) src(%arg6 : memref<128x128xf32, #tpu.memory_space<vmem>>) dst(%dma_wait3A_52 : memref<128x128xf32, #tpu.memory_space<vmem_shared>>)
      tpu.yield
    }) : () -> ()
    %mul3A_23 = arith.constant 640 : i32
    %mul3A_24 = arith.muli %arg1, %mul3A_23 : i32
    %add3A_25 = arith.constant 512 : i32
    %add3A_26 = arith.addi %mul3A_24, %add3A_25 : i32
    "tpu.region"() ({
      %run_scoped3A = tpu.sem_alloc : memref<!tpu.dma_semaphore, #tpu.memory_space<semaphore_mem>>
      %dma_start3A = arith.constant 0 : i32
      %dma_start3A_47 = tpu.memref_slice %arg5[%add3A_26, %dma_start3A] : memref<10240x128xf32, #tpu.memory_space<vmem_shared>> -> memref<128x128xf32, #tpu.memory_space<vmem_shared>>
      %dma_start3A_48 = arith.constant 0 : i32
      %dma_start3A_49 = tpu.memref_slice %arg5[%add3A_26, %dma_start3A_48] : memref<10240x128xf32, #tpu.memory_space<vmem_shared>> -> memref<128x128xf32, #tpu.memory_space<vmem_shared>>
      tpu.enqueue_dma source(%arg6 : memref<128x128xf32, #tpu.memory_space<vmem>>) target(%dma_start3A_49 : memref<128x128xf32, #tpu.memory_space<vmem_shared>>) target_semaphore(%run_scoped3A : memref<!tpu.dma_semaphore, #tpu.memory_space<semaphore_mem>>)
      %dma_wait3A = arith.constant 0 : i32
      %dma_wait3A_50 = tpu.memref_slice %arg5[%add3A_26, %dma_wait3A] : memref<10240x128xf32, #tpu.memory_space<vmem_shared>> -> memref<128x128xf32, #tpu.memory_space<vmem_shared>>
      %dma_wait3A_51 = arith.constant 0 : i32
      %dma_wait3A_52 = tpu.memref_slice %arg5[%add3A_26, %dma_wait3A_51] : memref<10240x128xf32, #tpu.memory_space<vmem_shared>> -> memref<128x128xf32, #tpu.memory_space<vmem_shared>>
      tpu.wait_dma2 semaphore(%run_scoped3A : memref<!tpu.dma_semaphore, #tpu.memory_space<semaphore_mem>>) src(%arg6 : memref<128x128xf32, #tpu.memory_space<vmem>>) dst(%dma_wait3A_52 : memref<128x128xf32, #tpu.memory_space<vmem_shared>>)
      tpu.yield
    }) : () -> ()
    %eq3A = arith.constant 1 : i32
    %eq3A_27 = arith.cmpi eq, %arg0, %eq3A : i32
    %convert_element_type3A = arith.extui %eq3A_27 : i1 to i32
    %cond3A = arith.constant 0 : i32
    %cond3A_28 = arith.cmpi ne, %convert_element_type3A, %cond3A : i32
    scf.if %cond3A_28 {
      %scan3A_47 = arith.constant 0 : i32
      %scan3A_48 = arith.constant 128 : i32
      %scan3A_49 = arith.addi %scan3A_47, %scan3A_48 : i32
      %scan3A_50 = arith.constant 1 : i32
      scf.for %scan3A_52 = %scan3A_47 to %scan3A_49 step %scan3A_50  : i32 {
        %swap3A = arith.index_cast %scan3A_52 : i32 to index
        %swap3A_53 = arith.constant 0 : index
        %swap3A_54 = tpu.vector_load %arg6[%swap3A, %swap3A_53] {strides = array<i32>} : memref<128x128xf32, #tpu.memory_space<vmem>>, vector<1x16xf32>,
        %swap3A_55 = vector.shape_cast %swap3A_54 : vector<1x16xf32> to vector<16xf32>
        %swap3A_56 = vector.shape_cast %broadcast_in_dim3A_3 : vector<16xf32> to vector<1x16xf32>
        tpu.vector_store %arg6[%swap3A, %swap3A_53], %swap3A_56 {strides = array<i32>} : memref<128x128xf32, #tpu.memory_space<vmem>>, vector<1x16xf32>,
        %swap3A_57 = arith.index_cast %scan3A_52 : i32 to index
        %swap3A_58 = arith.constant 16 : index
        %swap3A_59 = tpu.vector_load %arg6[%swap3A_57, %swap3A_58] {strides = array<i32>} : memref<128x128xf32, #tpu.memory_space<vmem>>, vector<1x16xf32>,
        %swap3A_60 = vector.shape_cast %swap3A_59 : vector<1x16xf32> to vector<16xf32>
        %swap3A_61 = vector.shape_cast %broadcast_in_dim3A_3 : vector<16xf32> to vector<1x16xf32>
        tpu.vector_store %arg6[%swap3A_57, %swap3A_58], %swap3A_61 {strides = array<i32>} : memref<128x128xf32, #tpu.memory_space<vmem>>, vector<1x16xf32>,
        %swap3A_62 = arith.index_cast %scan3A_52 : i32 to index
        %swap3A_63 = arith.constant 32 : index
        %swap3A_64 = tpu.vector_load %arg6[%swap3A_62, %swap3A_63] {strides = array<i32>} : memref<128x128xf32, #tpu.memory_space<vmem>>, vector<1x16xf32>,
        %swap3A_65 = vector.shape_cast %swap3A_64 : vector<1x16xf32> to vector<16xf32>
        %swap3A_66 = vector.shape_cast %broadcast_in_dim3A_3 : vector<16xf32> to vector<1x16xf32>
        tpu.vector_store %arg6[%swap3A_62, %swap3A_63], %swap3A_66 {strides = array<i32>} : memref<128x128xf32, #tpu.memory_space<vmem>>, vector<1x16xf32>,
        %swap3A_67 = arith.index_cast %scan3A_52 : i32 to index
        %swap3A_68 = arith.constant 48 : index
        %swap3A_69 = tpu.vector_load %arg6[%swap3A_67, %swap3A_68] {strides = array<i32>} : memref<128x128xf32, #tpu.memory_space<vmem>>, vector<1x16xf32>,
        %swap3A_70 = vector.shape_cast %swap3A_69 : vector<1x16xf32> to vector<16xf32>
        %swap3A_71 = vector.shape_cast %broadcast_in_dim3A_3 : vector<16xf32> to vector<1x16xf32>
        tpu.vector_store %arg6[%swap3A_67, %swap3A_68], %swap3A_71 {strides = array<i32>} : memref<128x128xf32, #tpu.memory_space<vmem>>, vector<1x16xf32>,
        %swap3A_72 = arith.index_cast %scan3A_52 : i32 to index
        %swap3A_73 = arith.constant 64 : index
        %swap3A_74 = tpu.vector_load %arg6[%swap3A_72, %swap3A_73] {strides = array<i32>} : memref<128x128xf32, #tpu.memory_space<vmem>>, vector<1x16xf32>,
        %swap3A_75 = vector.shape_cast %swap3A_74 : vector<1x16xf32> to vector<16xf32>
        %swap3A_76 = vector.shape_cast %broadcast_in_dim3A_3 : vector<16xf32> to vector<1x16xf32>
        tpu.vector_store %arg6[%swap3A_72, %swap3A_73], %swap3A_76 {strides = array<i32>} : memref<128x128xf32, #tpu.memory_space<vmem>>, vector<1x16xf32>,
        %swap3A_77 = arith.index_cast %scan3A_52 : i32 to index
        %swap3A_78 = arith.constant 80 : index
        %swap3A_79 = tpu.vector_load %arg6[%swap3A_77, %swap3A_78] {strides = array<i32>} : memref<128x128xf32, #tpu.memory_space<vmem>>, vector<1x16xf32>,
        %swap3A_80 = vector.shape_cast %swap3A_79 : vector<1x16xf32> to vector<16xf32>
        %swap3A_81 = vector.shape_cast %broadcast_in_dim3A_3 : vector<16xf32> to vector<1x16xf32>
        tpu.vector_store %arg6[%swap3A_77, %swap3A_78], %swap3A_81 {strides = array<i32>} : memref<128x128xf32, #tpu.memory_space<vmem>>, vector<1x16xf32>,
        %swap3A_82 = arith.index_cast %scan3A_52 : i32 to index
        %swap3A_83 = arith.constant 96 : index
        %swap3A_84 = tpu.vector_load %arg6[%swap3A_82, %swap3A_83] {strides = array<i32>} : memref<128x128xf32, #tpu.memory_space<vmem>>, vector<1x16xf32>,
        %swap3A_85 = vector.shape_cast %swap3A_84 : vector<1x16xf32> to vector<16xf32>
        %swap3A_86 = vector.shape_cast %broadcast_in_dim3A_3 : vector<16xf32> to vector<1x16xf32>
        tpu.vector_store %arg6[%swap3A_82, %swap3A_83], %swap3A_86 {strides = array<i32>} : memref<128x128xf32, #tpu.memory_space<vmem>>, vector<1x16xf32>,
        %swap3A_87 = arith.index_cast %scan3A_52 : i32 to index
        %swap3A_88 = arith.constant 112 : index
        %swap3A_89 = tpu.vector_load %arg6[%swap3A_87, %swap3A_88] {strides = array<i32>} : memref<128x128xf32, #tpu.memory_space<vmem>>, vector<1x16xf32>,
        %swap3A_90 = vector.shape_cast %swap3A_89 : vector<1x16xf32> to vector<16xf32>
        %swap3A_91 = vector.shape_cast %broadcast_in_dim3A_3 : vector<16xf32> to vector<1x16xf32>
        tpu.vector_store %arg6[%swap3A_87, %swap3A_88], %swap3A_91 {strides = array<i32>} : memref<128x128xf32, #tpu.memory_space<vmem>>, vector<1x16xf32>,
      }
      %scan3A_51 = arith.constant 128 : i32
    } else {
    }
    %barrier3A = arith.constant 0 : index
    tpu.barrier barrier_id(%barrier3A)
    %eq3A_29 = arith.constant 0 : i32
    %eq3A_30 = arith.cmpi eq, %arg0, %eq3A_29 : i32
    %convert_element_type3A_31 = arith.extui %eq3A_30 : i1 to i32
    %cond3A_32 = arith.constant 0 : i32
    %cond3A_33 = arith.cmpi ne, %convert_element_type3A_31, %cond3A_32 : i32
    scf.if %cond3A_33 {
      "tpu.region"() ({
        %run_scoped3A = tpu.sem_alloc : memref<!tpu.dma_semaphore, #tpu.memory_space<semaphore_mem>>
        %dma_start3A_64 = arith.constant 0 : i32
        %dma_start3A_65 = arith.constant 0 : i32
        %dma_start3A_66 = tpu.memref_slice %arg3[%mul3A_0, %dma_start3A_64, %dma_start3A_65] : memref<2529x2x128xi32, #tpu.memory_space<hbm>> -> memref<1x2x128xi32, #tpu.memory_space<hbm>>
        %dma_start3A_67 = tpu.memref_squeeze %dma_start3A_66 : memref<1x2x128xi32, #tpu.memory_space<hbm>> -> memref<2x128xi32, #tpu.memory_space<hbm>>
        %dma_start3A_68 = arith.constant 0 : i32
        %dma_start3A_69 = arith.constant 0 : i32
        %dma_start3A_70 = tpu.memref_slice %arg3[%mul3A_0, %dma_start3A_68, %dma_start3A_69] : memref<2529x2x128xi32, #tpu.memory_space<hbm>> -> memref<1x2x128xi32, #tpu.memory_space<hbm>>
        %dma_start3A_71 = tpu.memref_squeeze %dma_start3A_70 : memref<1x2x128xi32, #tpu.memory_space<hbm>> -> memref<2x128xi32, #tpu.memory_space<hbm>>
        tpu.enqueue_dma source(%dma_start3A_71 : memref<2x128xi32, #tpu.memory_space<hbm>>) target(%arg8 : memref<2x128xi32, #tpu.memory_space<vmem>>) target_semaphore(%run_scoped3A : memref<!tpu.dma_semaphore, #tpu.memory_space<semaphore_mem>>)
        %dma_wait3A_72 = arith.constant 0 : i32
        %dma_wait3A_73 = arith.constant 0 : i32
        %dma_wait3A_74 = tpu.memref_slice %arg3[%mul3A_0, %dma_wait3A_72, %dma_wait3A_73] : memref<2529x2x128xi32, #tpu.memory_space<hbm>> -> memref<1x2x128xi32, #tpu.memory_space<hbm>>
        %dma_wait3A_75 = tpu.memref_squeeze %dma_wait3A_74 : memref<1x2x128xi32, #tpu.memory_space<hbm>> -> memref<2x128xi32, #tpu.memory_space<hbm>>
        %dma_wait3A_76 = arith.constant 0 : i32
        %dma_wait3A_77 = arith.constant 0 : i32
        %dma_wait3A_78 = tpu.memref_slice %arg3[%mul3A_0, %dma_wait3A_76, %dma_wait3A_77] : memref<2529x2x128xi32, #tpu.memory_space<hbm>> -> memref<1x2x128xi32, #tpu.memory_space<hbm>>
        %dma_wait3A_79 = tpu.memref_squeeze %dma_wait3A_78 : memref<1x2x128xi32, #tpu.memory_space<hbm>> -> memref<2x128xi32, #tpu.memory_space<hbm>>
        tpu.wait_dma2 semaphore(%run_scoped3A : memref<!tpu.dma_semaphore, #tpu.memory_space<semaphore_mem>>) src(%dma_wait3A_79 : memref<2x128xi32, #tpu.memory_space<hbm>>) dst(%arg8 : memref<2x128xi32, #tpu.memory_space<vmem>>)
        tpu.yield
      }) : () -> ()
      %dma_start3A = arith.constant 0 : i32
      %dma_start3A_47 = arith.constant 0 : i32
      %dma_start3A_48 = tpu.memref_slice %arg8[%dma_start3A, %dma_start3A_47] : memref<2x128xi32, #tpu.memory_space<vmem>> -> memref<1x128xi32, #tpu.memory_space<vmem>>
      %dma_start3A_49 = tpu.memref_squeeze %dma_start3A_48 : memref<1x128xi32, #tpu.memory_space<vmem>> -> memref<128xi32, #tpu.memory_space<vmem>>
      %dma_start3A_50 = arith.constant 0 : i32
      %dma_start3A_51 = arith.constant 0 : i32
      %dma_start3A_52 = tpu.memref_slice %arg2[%dma_start3A_50, %dma_start3A_51] : memref<10240x128xf32, #tpu.memory_space<hbm>> -> memref<10240x128xf32, #tpu.memory_space<hbm>>
      tpu.enqueue_indirect_dma source(%dma_start3A_52 : memref<10240x128xf32, #tpu.memory_space<hbm>>) target(%arg6 : memref<128x128xf32, #tpu.memory_space<vmem>>) offsets(%dma_start3A_49 : memref<128xi32, #tpu.memory_space<vmem>>) semaphore(%arg10 : memref<!tpu.dma_semaphore, #tpu.memory_space<semaphore_mem>>)
      %scan3A_53 = arith.constant 0 : i32
      %scan3A_54 = arith.constant 79 : i32
      %scan3A_55 = arith.addi %scan3A_53, %scan3A_54 : i32
      %scan3A_56 = arith.constant 1 : i32
      scf.for %scan3A_64 = %scan3A_53 to %scan3A_55 step %scan3A_56  : i32 {
        %mul3A_65 = arith.constant 2 : i32
        %mul3A_66 = arith.muli %mul3A_65, %scan3A_64 : i32
        %add3A_67 = arith.addi %mul3A_0, %mul3A_66 : i32
        %add3A_68 = arith.constant 1 : i32
        %add3A_69 = arith.addi %add3A_67, %add3A_68 : i32
        "tpu.region"() ({
          %run_scoped3A_104 = tpu.sem_alloc : memref<!tpu.dma_semaphore, #tpu.memory_space<semaphore_mem>>
          %dma_start3A_105 = arith.constant 0 : i32
          %dma_start3A_106 = arith.constant 0 : i32
          %dma_start3A_107 = tpu.memref_slice %arg3[%add3A_69, %dma_start3A_105, %dma_start3A_106] : memref<2529x2x128xi32, #tpu.memory_space<hbm>> -> memref<1x2x128xi32, #tpu.memory_space<hbm>>
          %dma_start3A_108 = tpu.memref_squeeze %dma_start3A_107 : memref<1x2x128xi32, #tpu.memory_space<hbm>> -> memref<2x128xi32, #tpu.memory_space<hbm>>
          %dma_start3A_109 = arith.constant 0 : i32
          %dma_start3A_110 = arith.constant 0 : i32
          %dma_start3A_111 = tpu.memref_slice %arg3[%add3A_69, %dma_start3A_109, %dma_start3A_110] : memref<2529x2x128xi32, #tpu.memory_space<hbm>> -> memref<1x2x128xi32, #tpu.memory_space<hbm>>
          %dma_start3A_112 = tpu.memref_squeeze %dma_start3A_111 : memref<1x2x128xi32, #tpu.memory_space<hbm>> -> memref<2x128xi32, #tpu.memory_space<hbm>>
          tpu.enqueue_dma source(%dma_start3A_112 : memref<2x128xi32, #tpu.memory_space<hbm>>) target(%arg9 : memref<2x128xi32, #tpu.memory_space<vmem>>) target_semaphore(%run_scoped3A_104 : memref<!tpu.dma_semaphore, #tpu.memory_space<semaphore_mem>>)
          %dma_wait3A_113 = arith.constant 0 : i32
          %dma_wait3A_114 = arith.constant 0 : i32
          %dma_wait3A_115 = tpu.memref_slice %arg3[%add3A_69, %dma_wait3A_113, %dma_wait3A_114] : memref<2529x2x128xi32, #tpu.memory_space<hbm>> -> memref<1x2x128xi32, #tpu.memory_space<hbm>>
          %dma_wait3A_116 = tpu.memref_squeeze %dma_wait3A_115 : memref<1x2x128xi32, #tpu.memory_space<hbm>> -> memref<2x128xi32, #tpu.memory_space<hbm>>
          %dma_wait3A_117 = arith.constant 0 : i32
          %dma_wait3A_118 = arith.constant 0 : i32
          %dma_wait3A_119 = tpu.memref_slice %arg3[%add3A_69, %dma_wait3A_117, %dma_wait3A_118] : memref<2529x2x128xi32, #tpu.memory_space<hbm>> -> memref<1x2x128xi32, #tpu.memory_space<hbm>>
          %dma_wait3A_120 = tpu.memref_squeeze %dma_wait3A_119 : memref<1x2x128xi32, #tpu.memory_space<hbm>> -> memref<2x128xi32, #tpu.memory_space<hbm>>
          tpu.wait_dma2 semaphore(%run_scoped3A_104 : memref<!tpu.dma_semaphore, #tpu.memory_space<semaphore_mem>>) src(%dma_wait3A_120 : memref<2x128xi32, #tpu.memory_space<hbm>>) dst(%arg9 : memref<2x128xi32, #tpu.memory_space<vmem>>)
          tpu.yield
        }) : () -> ()
        %dma_start3A_70 = arith.constant 0 : i32
        %dma_start3A_71 = arith.constant 0 : i32
        %dma_start3A_72 = tpu.memref_slice %arg9[%dma_start3A_70, %dma_start3A_71] : memref<2x128xi32, #tpu.memory_space<vmem>> -> memref<1x128xi32, #tpu.memory_space<vmem>>
        %dma_start3A_73 = tpu.memref_squeeze %dma_start3A_72 : memref<1x128xi32, #tpu.memory_space<vmem>> -> memref<128xi32, #tpu.memory_space<vmem>>
        %dma_start3A_74 = arith.constant 0 : i32
        %dma_start3A_75 = arith.constant 0 : i32
        %dma_start3A_76 = tpu.memref_slice %arg2[%dma_start3A_74, %dma_start3A_75] : memref<10240x128xf32, #tpu.memory_space<hbm>> -> memref<10240x128xf32, #tpu.memory_space<hbm>>
        tpu.enqueue_indirect_dma source(%dma_start3A_76 : memref<10240x128xf32, #tpu.memory_space<hbm>>) target(%arg7 : memref<128x128xf32, #tpu.memory_space<vmem>>) offsets(%dma_start3A_73 : memref<128xi32, #tpu.memory_space<vmem>>) semaphore(%arg11 : memref<!tpu.dma_semaphore, #tpu.memory_space<semaphore_mem>>)
        %dma_wait3A_77 = arith.constant 0 : i32
        %dma_wait3A_78 = arith.constant 0 : i32
        %dma_wait3A_79 = tpu.memref_slice %arg8[%dma_wait3A_77, %dma_wait3A_78] : memref<2x128xi32, #tpu.memory_space<vmem>> -> memref<1x128xi32, #tpu.memory_space<vmem>>
        %dma_wait3A_80 = tpu.memref_squeeze %dma_wait3A_79 : memref<1x128xi32, #tpu.memory_space<vmem>> -> memref<128xi32, #tpu.memory_space<vmem>>
        %dma_wait3A_81 = arith.constant 0 : i32
        %dma_wait3A_82 = arith.constant 0 : i32
        %dma_wait3A_83 = tpu.memref_slice %arg2[%dma_wait3A_81, %dma_wait3A_82] : memref<10240x128xf32, #tpu.memory_space<hbm>> -> memref<10240x128xf32, #tpu.memory_space<hbm>>
        tpu.wait_indirect_dma semaphore(%arg10 : memref<!tpu.dma_semaphore, #tpu.memory_space<semaphore_mem>>) src(%dma_wait3A_83 : memref<10240x128xf32, #tpu.memory_space<hbm>>) dst(%arg6 : memref<128x128xf32, #tpu.memory_space<vmem>>)
        %run_scoped3A = arith.constant 1 : i32
        "tpu.region"() ({
          %run_scoped3A_104 = tpu.sem_alloc : memref<!tpu.dma_semaphore, #tpu.memory_space<semaphore_mem>>
          %dma_start3A_105 = arith.constant 0 : i32
          %dma_start3A_106 = tpu.memref_slice %arg8[%run_scoped3A, %dma_start3A_105] : memref<2x128xi32, #tpu.memory_space<vmem>> -> memref<1x128xi32, #tpu.memory_space<vmem>>
          %dma_start3A_107 = tpu.memref_squeeze %dma_start3A_106 : memref<1x128xi32, #tpu.memory_space<vmem>> -> memref<128xi32, #tpu.memory_space<vmem>>
          %dma_start3A_108 = arith.constant 0 : i32
          %dma_start3A_109 = arith.constant 0 : i32
          %dma_start3A_110 = tpu.memref_slice %arg5[%dma_start3A_108, %dma_start3A_109] : memref<10240x128xf32, #tpu.memory_space<vmem_shared>> -> memref<10240x128xf32, #tpu.memory_space<vmem_shared>>
          tpu.enqueue_indirect_dma source(%arg6 : memref<128x128xf32, #tpu.memory_space<vmem>>) target(%dma_start3A_110 : memref<10240x128xf32, #tpu.memory_space<vmem_shared>>) offsets(%dma_start3A_107 : memref<128xi32, #tpu.memory_space<vmem>>) semaphore(%run_scoped3A_104 : memref<!tpu.dma_semaphore, #tpu.memory_space<semaphore_mem>>) {add = true}
          %dma_wait3A_111 = arith.constant 0 : i32
          %dma_wait3A_112 = tpu.memref_slice %arg8[%run_scoped3A, %dma_wait3A_111] : memref<2x128xi32, #tpu.memory_space<vmem>> -> memref<1x128xi32, #tpu.memory_space<vmem>>
          %dma_wait3A_113 = tpu.memref_squeeze %dma_wait3A_112 : memref<1x128xi32, #tpu.memory_space<vmem>> -> memref<128xi32, #tpu.memory_space<vmem>>
          %dma_wait3A_114 = arith.constant 0 : i32
          %dma_wait3A_115 = arith.constant 0 : i32
          %dma_wait3A_116 = tpu.memref_slice %arg5[%dma_wait3A_114, %dma_wait3A_115] : memref<10240x128xf32, #tpu.memory_space<vmem_shared>> -> memref<10240x128xf32, #tpu.memory_space<vmem_shared>>
          tpu.wait_indirect_dma semaphore(%run_scoped3A_104 : memref<!tpu.dma_semaphore, #tpu.memory_space<semaphore_mem>>) src(%arg6 : memref<128x128xf32, #tpu.memory_space<vmem>>) dst(%dma_wait3A_116 : memref<10240x128xf32, #tpu.memory_space<vmem_shared>>)
          tpu.yield
        }) : () -> ()
        %mul3A_84 = arith.constant 2 : i32
        %mul3A_85 = arith.muli %mul3A_84, %scan3A_64 : i32
        %add3A_86 = arith.addi %mul3A_0, %mul3A_85 : i32
        %add3A_87 = arith.constant 2 : i32
        %add3A_88 = arith.addi %add3A_86, %add3A_87 : i32
        "tpu.region"() ({
          %run_scoped3A_104 = tpu.sem_alloc : memref<!tpu.dma_semaphore, #tpu.memory_space<semaphore_mem>>
          %dma_start3A_105 = arith.constant 0 : i32
          %dma_start3A_106 = arith.constant 0 : i32
          %dma_start3A_107 = tpu.memref_slice %arg3[%add3A_88, %dma_start3A_105, %dma_start3A_106] : memref<2529x2x128xi32, #tpu.memory_space<hbm>> -> memref<1x2x128xi32, #tpu.memory_space<hbm>>
          %dma_start3A_108 = tpu.memref_squeeze %dma_start3A_107 : memref<1x2x128xi32, #tpu.memory_space<hbm>> -> memref<2x128xi32, #tpu.memory_space<hbm>>
          %dma_start3A_109 = arith.constant 0 : i32
          %dma_start3A_110 = arith.constant 0 : i32
          %dma_start3A_111 = tpu.memref_slice %arg3[%add3A_88, %dma_start3A_109, %dma_start3A_110] : memref<2529x2x128xi32, #tpu.memory_space<hbm>> -> memref<1x2x128xi32, #tpu.memory_space<hbm>>
          %dma_start3A_112 = tpu.memref_squeeze %dma_start3A_111 : memref<1x2x128xi32, #tpu.memory_space<hbm>> -> memref<2x128xi32, #tpu.memory_space<hbm>>
          tpu.enqueue_dma source(%dma_start3A_112 : memref<2x128xi32, #tpu.memory_space<hbm>>) target(%arg8 : memref<2x128xi32, #tpu.memory_space<vmem>>) target_semaphore(%run_scoped3A_104 : memref<!tpu.dma_semaphore, #tpu.memory_space<semaphore_mem>>)
          %dma_wait3A_113 = arith.constant 0 : i32
          %dma_wait3A_114 = arith.constant 0 : i32
          %dma_wait3A_115 = tpu.memref_slice %arg3[%add3A_88, %dma_wait3A_113, %dma_wait3A_114] : memref<2529x2x128xi32, #tpu.memory_space<hbm>> -> memref<1x2x128xi32, #tpu.memory_space<hbm>>
          %dma_wait3A_116 = tpu.memref_squeeze %dma_wait3A_115 : memref<1x2x128xi32, #tpu.memory_space<hbm>> -> memref<2x128xi32, #tpu.memory_space<hbm>>
          %dma_wait3A_117 = arith.constant 0 : i32
          %dma_wait3A_118 = arith.constant 0 : i32
          %dma_wait3A_119 = tpu.memref_slice %arg3[%add3A_88, %dma_wait3A_117, %dma_wait3A_118] : memref<2529x2x128xi32, #tpu.memory_space<hbm>> -> memref<1x2x128xi32, #tpu.memory_space<hbm>>
          %dma_wait3A_120 = tpu.memref_squeeze %dma_wait3A_119 : memref<1x2x128xi32, #tpu.memory_space<hbm>> -> memref<2x128xi32, #tpu.memory_space<hbm>>
          tpu.wait_dma2 semaphore(%run_scoped3A_104 : memref<!tpu.dma_semaphore, #tpu.memory_space<semaphore_mem>>) src(%dma_wait3A_120 : memref<2x128xi32, #tpu.memory_space<hbm>>) dst(%arg8 : memref<2x128xi32, #tpu.memory_space<vmem>>)
          tpu.yield
        }) : () -> ()
        %dma_start3A_89 = arith.constant 0 : i32
        %dma_start3A_90 = arith.constant 0 : i32
        %dma_start3A_91 = tpu.memref_slice %arg8[%dma_start3A_89, %dma_start3A_90] : memref<2x128xi32, #tpu.memory_space<vmem>> -> memref<1x128xi32, #tpu.memory_space<vmem>>
        %dma_start3A_92 = tpu.memref_squeeze %dma_start3A_91 : memref<1x128xi32, #tpu.memory_space<vmem>> -> memref<128xi32, #tpu.memory_space<vmem>>
        %dma_start3A_93 = arith.constant 0 : i32
        %dma_start3A_94 = arith.constant 0 : i32
        %dma_start3A_95 = tpu.memref_slice %arg2[%dma_start3A_93, %dma_start3A_94] : memref<10240x128xf32, #tpu.memory_space<hbm>> -> memref<10240x128xf32, #tpu.memory_space<hbm>>
        tpu.enqueue_indirect_dma source(%dma_start3A_95 : memref<10240x128xf32, #tpu.memory_space<hbm>>) target(%arg6 : memref<128x128xf32, #tpu.memory_space<vmem>>) offsets(%dma_start3A_92 : memref<128xi32, #tpu.memory_space<vmem>>) semaphore(%arg10 : memref<!tpu.dma_semaphore, #tpu.memory_space<semaphore_mem>>)
        %dma_wait3A_96 = arith.constant 0 : i32
        %dma_wait3A_97 = arith.constant 0 : i32
        %dma_wait3A_98 = tpu.memref_slice %arg9[%dma_wait3A_96, %dma_wait3A_97] : memref<2x128xi32, #tpu.memory_space<vmem>> -> memref<1x128xi32, #tpu.memory_space<vmem>>
        %dma_wait3A_99 = tpu.memref_squeeze %dma_wait3A_98 : memref<1x128xi32, #tpu.memory_space<vmem>> -> memref<128xi32, #tpu.memory_space<vmem>>
        %dma_wait3A_100 = arith.constant 0 : i32
        %dma_wait3A_101 = arith.constant 0 : i32
        %dma_wait3A_102 = tpu.memref_slice %arg2[%dma_wait3A_100, %dma_wait3A_101] : memref<10240x128xf32, #tpu.memory_space<hbm>> -> memref<10240x128xf32, #tpu.memory_space<hbm>>
        tpu.wait_indirect_dma semaphore(%arg11 : memref<!tpu.dma_semaphore, #tpu.memory_space<semaphore_mem>>) src(%dma_wait3A_102 : memref<10240x128xf32, #tpu.memory_space<hbm>>) dst(%arg7 : memref<128x128xf32, #tpu.memory_space<vmem>>)
        %run_scoped3A_103 = arith.constant 1 : i32
        "tpu.region"() ({
          %run_scoped3A_104 = tpu.sem_alloc : memref<!tpu.dma_semaphore, #tpu.memory_space<semaphore_mem>>
          %dma_start3A_105 = arith.constant 0 : i32
          %dma_start3A_106 = tpu.memref_slice %arg9[%run_scoped3A_103, %dma_start3A_105] : memref<2x128xi32, #tpu.memory_space<vmem>> -> memref<1x128xi32, #tpu.memory_space<vmem>>
          %dma_start3A_107 = tpu.memref_squeeze %dma_start3A_106 : memref<1x128xi32, #tpu.memory_space<vmem>> -> memref<128xi32, #tpu.memory_space<vmem>>
          %dma_start3A_108 = arith.constant 0 : i32
          %dma_start3A_109 = arith.constant 0 : i32
          %dma_start3A_110 = tpu.memref_slice %arg5[%dma_start3A_108, %dma_start3A_109] : memref<10240x128xf32, #tpu.memory_space<vmem_shared>> -> memref<10240x128xf32, #tpu.memory_space<vmem_shared>>
          tpu.enqueue_indirect_dma source(%arg7 : memref<128x128xf32, #tpu.memory_space<vmem>>) target(%dma_start3A_110 : memref<10240x128xf32, #tpu.memory_space<vmem_shared>>) offsets(%dma_start3A_107 : memref<128xi32, #tpu.memory_space<vmem>>) semaphore(%run_scoped3A_104 : memref<!tpu.dma_semaphore, #tpu.memory_space<semaphore_mem>>) {add = true}
          %dma_wait3A_111 = arith.constant 0 : i32
          %dma_wait3A_112 = tpu.memref_slice %arg9[%run_scoped3A_103, %dma_wait3A_111] : memref<2x128xi32, #tpu.memory_space<vmem>> -> memref<1x128xi32, #tpu.memory_space<vmem>>
          %dma_wait3A_113 = tpu.memref_squeeze %dma_wait3A_112 : memref<1x128xi32, #tpu.memory_space<vmem>> -> memref<128xi32, #tpu.memory_space<vmem>>
          %dma_wait3A_114 = arith.constant 0 : i32
          %dma_wait3A_115 = arith.constant 0 : i32
          %dma_wait3A_116 = tpu.memref_slice %arg5[%dma_wait3A_114, %dma_wait3A_115] : memref<10240x128xf32, #tpu.memory_space<vmem_shared>> -> memref<10240x128xf32, #tpu.memory_space<vmem_shared>>
          tpu.wait_indirect_dma semaphore(%run_scoped3A_104 : memref<!tpu.dma_semaphore, #tpu.memory_space<semaphore_mem>>) src(%arg7 : memref<128x128xf32, #tpu.memory_space<vmem>>) dst(%dma_wait3A_116 : memref<10240x128xf32, #tpu.memory_space<vmem_shared>>)
          tpu.yield
        }) : () -> ()
      }
      %scan3A_57 = arith.constant 79 : i32
      %dma_wait3A = arith.constant 0 : i32
      %dma_wait3A_58 = arith.constant 0 : i32
      %dma_wait3A_59 = tpu.memref_slice %arg8[%dma_wait3A, %dma_wait3A_58] : memref<2x128xi32, #tpu.memory_space<vmem>> -> memref<1x128xi32, #tpu.memory_space<vmem>>
      %dma_wait3A_60 = tpu.memref_squeeze %dma_wait3A_59 : memref<1x128xi32, #tpu.memory_space<vmem>> -> memref<128xi32, #tpu.memory_space<vmem>>
      %dma_wait3A_61 = arith.constant 0 : i32
      %dma_wait3A_62 = arith.constant 0 : i32
      %dma_wait3A_63 = tpu.memref_slice %arg2[%dma_wait3A_61, %dma_wait3A_62] : memref<10240x128xf32, #tpu.memory_space<hbm>> -> memref<10240x128xf32, #tpu.memory_space<hbm>>
      tpu.wait_indirect_dma semaphore(%arg10 : memref<!tpu.dma_semaphore, #tpu.memory_space<semaphore_mem>>) src(%dma_wait3A_63 : memref<10240x128xf32, #tpu.memory_space<hbm>>) dst(%arg6 : memref<128x128xf32, #tpu.memory_space<vmem>>)
    } else {
    }
    %eq3A_34 = arith.constant 1 : i32
    %eq3A_35 = arith.cmpi eq, %arg0, %eq3A_34 : i32
    %convert_element_type3A_36 = arith.extui %eq3A_35 : i1 to i32
    %cond3A_37 = arith.constant 0 : i32
    %cond3A_38 = arith.cmpi ne, %convert_element_type3A_36, %cond3A_37 : i32
    scf.if %cond3A_38 {
      %scan3A_47 = arith.constant 0 : i32
      %scan3A_48 = arith.constant 158 : i32
      %scan3A_49 = arith.addi %scan3A_47, %scan3A_48 : i32
      %scan3A_50 = arith.constant 1 : i32
      scf.for %scan3A_52 = %scan3A_47 to %scan3A_49 step %scan3A_50  : i32 {
        %add3A_53 = arith.addi %mul3A_0, %scan3A_52 : i32
        "tpu.region"() ({
          %run_scoped3A_54 = tpu.sem_alloc : memref<!tpu.dma_semaphore, #tpu.memory_space<semaphore_mem>>
          %dma_start3A = arith.constant 0 : i32
          %dma_start3A_55 = arith.constant 0 : i32
          %dma_start3A_56 = tpu.memref_slice %arg3[%add3A_53, %dma_start3A, %dma_start3A_55] : memref<2529x2x128xi32, #tpu.memory_space<hbm>> -> memref<1x2x128xi32, #tpu.memory_space<hbm>>
          %dma_start3A_57 = tpu.memref_squeeze %dma_start3A_56 : memref<1x2x128xi32, #tpu.memory_space<hbm>> -> memref<2x128xi32, #tpu.memory_space<hbm>>
          %dma_start3A_58 = arith.constant 0 : i32
          %dma_start3A_59 = arith.constant 0 : i32
          %dma_start3A_60 = tpu.memref_slice %arg3[%add3A_53, %dma_start3A_58, %dma_start3A_59] : memref<2529x2x128xi32, #tpu.memory_space<hbm>> -> memref<1x2x128xi32, #tpu.memory_space<hbm>>
          %dma_start3A_61 = tpu.memref_squeeze %dma_start3A_60 : memref<1x2x128xi32, #tpu.memory_space<hbm>> -> memref<2x128xi32, #tpu.memory_space<hbm>>
          tpu.enqueue_dma source(%dma_start3A_61 : memref<2x128xi32, #tpu.memory_space<hbm>>) target(%arg8 : memref<2x128xi32, #tpu.memory_space<vmem>>) target_semaphore(%run_scoped3A_54 : memref<!tpu.dma_semaphore, #tpu.memory_space<semaphore_mem>>)
          %dma_wait3A = arith.constant 0 : i32
          %dma_wait3A_62 = arith.constant 0 : i32
          %dma_wait3A_63 = tpu.memref_slice %arg3[%add3A_53, %dma_wait3A, %dma_wait3A_62] : memref<2529x2x128xi32, #tpu.memory_space<hbm>> -> memref<1x2x128xi32, #tpu.memory_space<hbm>>
          %dma_wait3A_64 = tpu.memref_squeeze %dma_wait3A_63 : memref<1x2x128xi32, #tpu.memory_space<hbm>> -> memref<2x128xi32, #tpu.memory_space<hbm>>
          %dma_wait3A_65 = arith.constant 0 : i32
          %dma_wait3A_66 = arith.constant 0 : i32
          %dma_wait3A_67 = tpu.memref_slice %arg3[%add3A_53, %dma_wait3A_65, %dma_wait3A_66] : memref<2529x2x128xi32, #tpu.memory_space<hbm>> -> memref<1x2x128xi32, #tpu.memory_space<hbm>>
          %dma_wait3A_68 = tpu.memref_squeeze %dma_wait3A_67 : memref<1x2x128xi32, #tpu.memory_space<hbm>> -> memref<2x128xi32, #tpu.memory_space<hbm>>
          tpu.wait_dma2 semaphore(%run_scoped3A_54 : memref<!tpu.dma_semaphore, #tpu.memory_space<semaphore_mem>>) src(%dma_wait3A_68 : memref<2x128xi32, #tpu.memory_space<hbm>>) dst(%arg8 : memref<2x128xi32, #tpu.memory_space<vmem>>)
          tpu.yield
        }) : () -> ()
        %run_scoped3A = arith.constant 1 : i32
        "tpu.region"() ({
          %run_scoped3A_54 = tpu.sem_alloc : memref<!tpu.dma_semaphore, #tpu.memory_space<semaphore_mem>>
          %dma_start3A = arith.constant 0 : i32
          %dma_start3A_55 = tpu.memref_slice %arg8[%run_scoped3A, %dma_start3A] : memref<2x128xi32, #tpu.memory_space<vmem>> -> memref<1x128xi32, #tpu.memory_space<vmem>>
          %dma_start3A_56 = tpu.memref_squeeze %dma_start3A_55 : memref<1x128xi32, #tpu.memory_space<vmem>> -> memref<128xi32, #tpu.memory_space<vmem>>
          %dma_start3A_57 = arith.constant 0 : i32
          %dma_start3A_58 = arith.constant 0 : i32
          %dma_start3A_59 = tpu.memref_slice %arg5[%dma_start3A_57, %dma_start3A_58] : memref<10240x128xf32, #tpu.memory_space<vmem_shared>> -> memref<10240x128xf32, #tpu.memory_space<vmem_shared>>
          tpu.enqueue_indirect_dma source(%arg6 : memref<128x128xf32, #tpu.memory_space<vmem>>) target(%dma_start3A_59 : memref<10240x128xf32, #tpu.memory_space<vmem_shared>>) offsets(%dma_start3A_56 : memref<128xi32, #tpu.memory_space<vmem>>) semaphore(%run_scoped3A_54 : memref<!tpu.dma_semaphore, #tpu.memory_space<semaphore_mem>>) {add = true}
          %dma_wait3A = arith.constant 0 : i32
          %dma_wait3A_60 = tpu.memref_slice %arg8[%run_scoped3A, %dma_wait3A] : memref<2x128xi32, #tpu.memory_space<vmem>> -> memref<1x128xi32, #tpu.memory_space<vmem>>
          %dma_wait3A_61 = tpu.memref_squeeze %dma_wait3A_60 : memref<1x128xi32, #tpu.memory_space<vmem>> -> memref<128xi32, #tpu.memory_space<vmem>>
          %dma_wait3A_62 = arith.constant 0 : i32
          %dma_wait3A_63 = arith.constant 0 : i32
          %dma_wait3A_64 = tpu.memref_slice %arg5[%dma_wait3A_62, %dma_wait3A_63] : memref<10240x128xf32, #tpu.memory_space<vmem_shared>> -> memref<10240x128xf32, #tpu.memory_space<vmem_shared>>
          tpu.wait_indirect_dma semaphore(%run_scoped3A_54 : memref<!tpu.dma_semaphore, #tpu.memory_space<semaphore_mem>>) src(%arg6 : memref<128x128xf32, #tpu.memory_space<vmem>>) dst(%dma_wait3A_64 : memref<10240x128xf32, #tpu.memory_space<vmem_shared>>)
          tpu.yield
        }) : () -> ()
      }
      %scan3A_51 = arith.constant 158 : i32
    } else {
    }
    %barrier3A_39 = arith.constant 0 : index
    tpu.barrier barrier_id(%barrier3A_39)
    %mul3A_40 = arith.constant 640 : i32
    %mul3A_41 = arith.muli %arg1, %mul3A_40 : i32
    %mul3A_42 = arith.constant 10240 : i32
    %mul3A_43 = arith.muli %arg0, %mul3A_42 : i32
    %mul3A_44 = arith.constant 640 : i32
    %mul3A_45 = arith.muli %arg1, %mul3A_44 : i32
    %add3A_46 = arith.addi %mul3A_43, %mul3A_45 : i32
    "tpu.region"() ({
      %run_scoped3A = tpu.sem_alloc : memref<!tpu.dma_semaphore, #tpu.memory_space<semaphore_mem>>
      %dma_start3A = arith.constant 0 : i32
      %dma_start3A_47 = tpu.memref_slice %arg4[%add3A_46, %dma_start3A] : memref<20480x128xf32, #tpu.memory_space<hbm>> -> memref<640x128xf32, #tpu.memory_space<hbm>>
      %dma_start3A_48 = arith.constant 0 : i32
      %dma_start3A_49 = tpu.memref_slice %arg5[%mul3A_41, %dma_start3A_48] : memref<10240x128xf32, #tpu.memory_space<vmem_shared>> -> memref<640x128xf32, #tpu.memory_space<vmem_shared>>
      tpu.enqueue_dma source(%dma_start3A_49 : memref<640x128xf32, #tpu.memory_space<vmem_shared>>) target(%dma_start3A_47 : memref<640x128xf32, #tpu.memory_space<hbm>>) target_semaphore(%run_scoped3A : memref<!tpu.dma_semaphore, #tpu.memory_space<semaphore_mem>>)
      %dma_wait3A = arith.constant 0 : i32
      %dma_wait3A_50 = tpu.memref_slice %arg4[%add3A_46, %dma_wait3A] : memref<20480x128xf32, #tpu.memory_space<hbm>> -> memref<640x128xf32, #tpu.memory_space<hbm>>
      %dma_wait3A_51 = arith.constant 0 : i32
      %dma_wait3A_52 = tpu.memref_slice %arg5[%mul3A_41, %dma_wait3A_51] : memref<10240x128xf32, #tpu.memory_space<vmem_shared>> -> memref<640x128xf32, #tpu.memory_space<vmem_shared>>
      tpu.wait_dma2 semaphore(%run_scoped3A : memref<!tpu.dma_semaphore, #tpu.memory_space<semaphore_mem>>) src(%dma_wait3A_52 : memref<640x128xf32, #tpu.memory_space<vmem_shared>>) dst(%dma_wait3A_50 : memref<640x128xf32, #tpu.memory_space<hbm>>)
      tpu.yield
    }) : () -> ()
    return
  }
}

module attributes {stable_mosaic.version = 14 : i64} {
  func.func @_proj_body(%arg0: i32, %arg1: memref<1280x128xf32, #tpu.memory_space<vmem>>, %arg2: memref<1280x1xi32, #tpu.memory_space<vmem>>, %arg3: memref<128x128xf32, #tpu.memory_space<vmem>>, %arg4: memref<128x128xf32, #tpu.memory_space<vmem>>, %arg5: memref<8x128xf32, #tpu.memory_space<vmem>>, %arg6: memref<8x128xf32, #tpu.memory_space<vmem>>, %arg7: memref<1280x128xf32, #tpu.memory_space<vmem>>, %arg8: memref<1280x128xf32, #tpu.memory_space<vmem>>) attributes {dimension_semantics = [#tpu.dimension_semantics<arbitrary>], iteration_bounds = array<i64: 8>, scalar_prefetch = 0 : i64, scratch_operands = 0 : i64, tpu.core_type = #tpu.core_type<tc>, window_params = [{transform_indices = @transform_0, window_bounds = array<i64: 1280, 128>}, {transform_indices = @transform_1, window_bounds = array<i64: 1280, 1>}, {pipeline_mode = #tpu.pipeline_mode<synchronous>, transform_indices = @transform_2, window_bounds = array<i64: 128, 128>}, {pipeline_mode = #tpu.pipeline_mode<synchronous>, transform_indices = @transform_3, window_bounds = array<i64: 128, 128>}, {pipeline_mode = #tpu.pipeline_mode<synchronous>, transform_indices = @transform_4, window_bounds = array<i64: 8, 128>}, {pipeline_mode = #tpu.pipeline_mode<synchronous>, transform_indices = @transform_5, window_bounds = array<i64: 8, 128>}, {transform_indices = @transform_6, window_bounds = array<i64: 1280, 128>}, {transform_indices = @transform_7, window_bounds = array<i64: 1280, 128>}]} {
    %get3A = arith.constant 0 : index
    %get3A_0 = arith.constant 0 : index
    %get3A_1 = vector.load %arg1[%get3A, %get3A_0] : memref<1280x128xf32, #tpu.memory_space<vmem>>, vector<1280x128xf32>
    %get3A_2 = arith.constant 0 : index
    %get3A_3 = arith.constant 0 : index
    %get3A_4 = vector.load %arg2[%get3A_2, %get3A_3] : memref<1280x1xi32, #tpu.memory_space<vmem>>, vector<1280x1xi32>
    %iota3A = tpu.iota {dimensions = array<i32: 1>} : vector<1280x8xi32>
    %eq3A = vector.broadcast %get3A_4 : vector<1280x1xi32> to vector<1280x8xi32>
    %eq3A_5 = arith.cmpi eq, %eq3A, %iota3A : vector<1280x8xi32>
    %convert_element_type3A = arith.extui %eq3A_5 : vector<1280x8xi1> to vector<1280x8xi32>
    %convert_element_type3A_6 = arith.sitofp %convert_element_type3A : vector<1280x8xi32> to vector<1280x8xf32>
    %get3A_7 = arith.constant 0 : index
    %get3A_8 = arith.constant 0 : index
    %get3A_9 = vector.load %arg3[%get3A_7, %get3A_8] : memref<128x128xf32, #tpu.memory_space<vmem>>, vector<128x128xf32>
    %dot_general3A = arith.constant dense<0.000000e+00> : vector<1280x128xf32>
    %dot_general3A_10 = tpu.matmul %get3A_1, %get3A_9, %dot_general3A {dimension_numbers = #tpu.dot_dimension_numbers<[1], [0], [0], [1], [0, 0, 1, 1], [], []>, transpose_lhs_hint = false} : vector<1280x128xf32>, vector<128x128xf32>, vector<1280x128xf32> -> vector<1280x128xf32>
    %get3A_11 = arith.constant 0 : index
    %get3A_12 = arith.constant 0 : index
    %get3A_13 = vector.load %arg5[%get3A_11, %get3A_12] : memref<8x128xf32, #tpu.memory_space<vmem>>, vector<8x128xf32>
    %dot_general3A_14 = arith.constant dense<0.000000e+00> : vector<1280x128xf32>
    %dot_general3A_15 = tpu.matmul %convert_element_type3A_6, %get3A_13, %dot_general3A_14 {dimension_numbers = #tpu.dot_dimension_numbers<[1], [0], [0], [1], [0, 0, 1, 1], [], []>, transpose_lhs_hint = false} : vector<1280x8xf32>, vector<8x128xf32>, vector<1280x128xf32> -> vector<1280x128xf32>
    %add3A = arith.addf %dot_general3A_10, %dot_general3A_15 : vector<1280x128xf32>
    %swap3A = arith.constant 0 : index
    %swap3A_16 = arith.constant 0 : index
    %swap3A_17 = vector.load %arg7[%swap3A, %swap3A_16] : memref<1280x128xf32, #tpu.memory_space<vmem>>, vector<1280x128xf32>
    tpu.vector_store %arg7[%swap3A, %swap3A_16], %add3A {strides = array<i32>} : memref<1280x128xf32, #tpu.memory_space<vmem>>, vector<1280x128xf32>,
    %get3A_18 = arith.constant 0 : index
    %get3A_19 = arith.constant 0 : index
    %get3A_20 = vector.load %arg4[%get3A_18, %get3A_19] : memref<128x128xf32, #tpu.memory_space<vmem>>, vector<128x128xf32>
    %dot_general3A_21 = arith.constant dense<0.000000e+00> : vector<1280x128xf32>
    %dot_general3A_22 = tpu.matmul %get3A_1, %get3A_20, %dot_general3A_21 {dimension_numbers = #tpu.dot_dimension_numbers<[1], [0], [0], [1], [0, 0, 1, 1], [], []>, transpose_lhs_hint = false} : vector<1280x128xf32>, vector<128x128xf32>, vector<1280x128xf32> -> vector<1280x128xf32>
    %get3A_23 = arith.constant 0 : index
    %get3A_24 = arith.constant 0 : index
    %get3A_25 = vector.load %arg6[%get3A_23, %get3A_24] : memref<8x128xf32, #tpu.memory_space<vmem>>, vector<8x128xf32>
    %dot_general3A_26 = arith.constant dense<0.000000e+00> : vector<1280x128xf32>
    %dot_general3A_27 = tpu.matmul %convert_element_type3A_6, %get3A_25, %dot_general3A_26 {dimension_numbers = #tpu.dot_dimension_numbers<[1], [0], [0], [1], [0, 0, 1, 1], [], []>, transpose_lhs_hint = false} : vector<1280x8xf32>, vector<8x128xf32>, vector<1280x128xf32> -> vector<1280x128xf32>
    %add3A_28 = arith.addf %dot_general3A_22, %dot_general3A_27 : vector<1280x128xf32>
    %swap3A_29 = arith.constant 0 : index
    %swap3A_30 = arith.constant 0 : index
    %swap3A_31 = vector.load %arg8[%swap3A_29, %swap3A_30] : memref<1280x128xf32, #tpu.memory_space<vmem>>, vector<1280x128xf32>
    tpu.vector_store %arg8[%swap3A_29, %swap3A_30], %add3A_28 {strides = array<i32>} : memref<1280x128xf32, #tpu.memory_space<vmem>>, vector<1280x128xf32>,
    return
  }
  func.func @transform_0(%arg0: i32) -> (i32, i32) {
    %c0_i32 = arith.constant 0 : i32
    %c0_i32_0 = arith.constant 0 : i32
    return %arg0, %c0_i32 : i32, i32
  }
  func.func @transform_1(%arg0: i32) -> (i32, i32) {
    %c0_i32 = arith.constant 0 : i32
    %c0_i32_0 = arith.constant 0 : i32
    return %arg0, %c0_i32 : i32, i32
  }
  func.func @transform_2(%arg0: i32) -> (i32, i32) {
    %c0_i32 = arith.constant 0 : i32
    %c0_i32_0 = arith.constant 0 : i32
    %c0_i32_1 = arith.constant 0 : i32
    return %c0_i32, %c0_i32_0 : i32, i32
  }
  func.func @transform_3(%arg0: i32) -> (i32, i32) {
    %c0_i32 = arith.constant 0 : i32
    %c0_i32_0 = arith.constant 0 : i32
    %c0_i32_1 = arith.constant 0 : i32
    return %c0_i32, %c0_i32_0 : i32, i32
  }
  func.func @transform_4(%arg0: i32) -> (i32, i32) {
    %c0_i32 = arith.constant 0 : i32
    %c0_i32_0 = arith.constant 0 : i32
    %c0_i32_1 = arith.constant 0 : i32
    return %c0_i32, %c0_i32_0 : i32, i32
  }
  func.func @transform_5(%arg0: i32) -> (i32, i32) {
    %c0_i32 = arith.constant 0 : i32
    %c0_i32_0 = arith.constant 0 : i32
    %c0_i32_1 = arith.constant 0 : i32
    return %c0_i32, %c0_i32_0 : i32, i32
  }
  func.func @transform_6(%arg0: i32) -> (i32, i32) {
    %c0_i32 = arith.constant 0 : i32
    %c0_i32_0 = arith.constant 0 : i32
    return %arg0, %c0_i32 : i32, i32
  }
  func.func @transform_7(%arg0: i32) -> (i32, i32) {
    %c0_i32 = arith.constant 0 : i32
    %c0_i32_0 = arith.constant 0 : i32
    return %arg0, %c0_i32 : i32, i32
  }
}

module attributes {stable_mosaic.version = 14 : i64} {
  func.func @_final_body(%arg0: i32, %arg1: memref<2x1280x128xf32, #tpu.memory_space<vmem>>, %arg2: memref<1280x128xf32, #tpu.memory_space<vmem>>, %arg3: memref<1280x128xf32, #tpu.memory_space<vmem>>) attributes {dimension_semantics = [#tpu.dimension_semantics<arbitrary>], iteration_bounds = array<i64: 8>, scalar_prefetch = 0 : i64, scratch_operands = 0 : i64, tpu.core_type = #tpu.core_type<tc>, window_params = [{transform_indices = @transform_0, window_bounds = array<i64: 2, 1280, 128>}, {transform_indices = @transform_1, window_bounds = array<i64: 1280, 128>}, {transform_indices = @transform_2, window_bounds = array<i64: 1280, 128>}]} {
    %get3A = arith.constant 0 : index
    %get3A_0 = arith.constant 0 : index
    %get3A_1 = arith.constant 0 : index
    %get3A_2 = vector.load %arg1[%get3A, %get3A_0, %get3A_1] : memref<2x1280x128xf32, #tpu.memory_space<vmem>>, vector<1x1280x128xf32>
    %get3A_3 = vector.shape_cast %get3A_2 : vector<1x1280x128xf32> to vector<1280x128xf32>
    %get3A_4 = arith.constant 1 : index
    %get3A_5 = arith.constant 0 : index
    %get3A_6 = arith.constant 0 : index
    %get3A_7 = vector.load %arg1[%get3A_4, %get3A_5, %get3A_6] : memref<2x1280x128xf32, #tpu.memory_space<vmem>>, vector<1x1280x128xf32>
    %get3A_8 = vector.shape_cast %get3A_7 : vector<1x1280x128xf32> to vector<1280x128xf32>
    %slice3A = vector.extract_strided_slice %get3A_8 {offsets = [0, 0], sizes = [1280, 1], strides = [1, 1]} : vector<1280x128xf32> to vector<1280x1xf32>
    %max3A = arith.constant 1.000000e+00 : f32
    %max3A_9 = vector.broadcast %max3A : f32 to vector<1280x1xf32>
    %max3A_10 = arith.maximumf %slice3A, %max3A_9 : vector<1280x1xf32>
    %div3A = vector.broadcast %max3A_10 : vector<1280x1xf32> to vector<1280x128xf32>
    %div3A_11 = arith.divf %get3A_3, %div3A : vector<1280x128xf32>
    %get3A_12 = arith.constant 0 : index
    %get3A_13 = arith.constant 0 : index
    %get3A_14 = vector.load %arg2[%get3A_12, %get3A_13] : memref<1280x128xf32, #tpu.memory_space<vmem>>, vector<1280x128xf32>
    %add3A = arith.addf %div3A_11, %get3A_14 : vector<1280x128xf32>
    %max3A_15 = arith.constant 0.000000e+00 : f32
    %max3A_16 = vector.broadcast %max3A_15 : f32 to vector<1280x128xf32>
    %max3A_17 = arith.maximumf %add3A, %max3A_16 : vector<1280x128xf32>
    %swap3A = arith.constant 0 : index
    %swap3A_18 = arith.constant 0 : index
    %swap3A_19 = vector.load %arg3[%swap3A, %swap3A_18] : memref<1280x128xf32, #tpu.memory_space<vmem>>, vector<1280x128xf32>
    tpu.vector_store %arg3[%swap3A, %swap3A_18], %max3A_17 {strides = array<i32>} : memref<1280x128xf32, #tpu.memory_space<vmem>>, vector<1280x128xf32>,
    return
  }
  func.func @transform_0(%arg0: i32) -> (i32, i32, i32) {
    %c0_i32 = arith.constant 0 : i32
    %c0_i32_0 = arith.constant 0 : i32
    %c0_i32_1 = arith.constant 0 : i32
    return %c0_i32, %arg0, %c0_i32_0 : i32, i32, i32
  }
  func.func @transform_1(%arg0: i32) -> (i32, i32) {
    %c0_i32 = arith.constant 0 : i32
    %c0_i32_0 = arith.constant 0 : i32
    return %arg0, %c0_i32 : i32, i32
  }
  func.func @transform_2(%arg0: i32) -> (i32, i32) {
    %c0_i32 = arith.constant 0 : i32
    %c0_i32_0 = arith.constant 0 : i32
    return %arg0, %c0_i32 : i32, i32
  }
}

</mosaic_0001>

<sc_bundles>
// kernel: gather_offload_async_start.1
scs
__scs_entry_jumppad:
0x0: {  	(pc) =	sbr.rel $0x88, $3  }
0x1: {  	(tag) =	ssettag $0x0;
	lr =	simm.s32 $0x1  }
0x2: {  	[smem:$0x3F9A] =	sst lr;
	_ =	strace $0xD0000000  }
0x3: {  	_ = 	snop  }
0x4: {  	_ = 	snop  }
0x5: {  	_ = 	snop  }
0x6: {  	_ = 	snop  }
0x7: {  	_ = 	snop  }
__scs_overlays_trampoline_lowered:
0x8: {  	[smem:$0x3FA9] =	sst s0  }
0x9: {  	[smem:$0x3FAA] =	sst s1  }
0xa: {  	[smem:$0x3FAB] =	sst s2  }
0xb: {  	[smem:$0x3FAC] =	sst s3  }
0xc: {  	[smem:$0x3FAD] =	sst s4  }
0xd: {  	[smem:$0x3FAE] =	sst s5  }
0xe: {  	[smem:$0x3FAF] =	sst s6  }
0xf: {  	[smem:$0x3FB0] =	sst s7  }
0x10: {  	[smem:$0x3FB1] =	sst s8  }
0x11: {  	[smem:$0x3FB2] =	sst s9;
	s0 =	simm.s32 @!p0 $0x0  }
0x12: {  	s1 =	sld [smem:$0x3F98];
	s0 =	simm.s32 @p0 $0x1  }
0x13: {  	[smem:$0x3FB3] =	sst s0;
	s0 =	simm.s32 @!p1 $0x0  }
0x14: {  	s2 =	sld [smem:$0x3F97];
	s0 =	simm.s32 @p1 $0x1  }
0x15: {  	[smem:$0x3FB4] =	sst s0;
	s0 =	simm.s32 @!p2 $0x0  }
0x16: {  	s3 =	sld [smem:$0x3FDB];
	s0 =	simm.s32 @p2 $0x1  }
0x17: {  	s4 =	simm.s32 $0x1BF5;
	[smem:$0x3FB6] =	sst s0  }
0x18: {  	s0 =	sld [smem:$0x3F99];
	_ =	swait.ge [sflag:s4], $0x0  }
0x19: {  	s7 =	sld [smem:$0x3F9A]  }
0x1a: {  	s8 =	sadd.s32 $0xFFFFE003, lr  }
0x1b: {  	s9 =	sadd.s32 $0xFFFFFEF7, lr;
	s5 =	simm.s32 $0xFFFFFFFF;
	p2 =	slt.u32 s8, $0xFFFFF086  }
0x1c: {  	p1 =	slt.u32 s9, $0xF7A;
	s5 =	simm.s32 @!p2 $0x0  }
0x1d: {  	s5 =	simm.s32 @p1 $0x1;
	p0 =	seq.s32 s7, s2  }
0x1e: {  	s7 =	smul.u32 @!p0 $0xF7A, s2;
	p2 =	seq.s32 @!p0 s5, $0x0  }
0x1f: {  	s9 =	smul.u32 $0xF7A, s1;
	s8 =	simm.s32 @!p0 $0x1BF5;
	p2 =	por !p2, p0  }
0x20: {  	[sflag:s8] =	ssyncset.s32 @!p0 $0xFFFFF086;
	s6 =	sadd.s32 @!p0 s3, s7;
	s7 =	simm.s32 @!p0 $0x108  }
0x21: {  	s3 =	sadd.s32 s3, s9;
	s6 =	sadd.s32 @!p0 $0x88, s6;
	s7 =	simm.s32 @p2 $0x1082  }
0x22: {  	[simem:s7], [sflag:s8] =	dma.local @!p0 [hbm:s6], $0xF7A  }
0x23: {  	s9 =	sor.u32 $0xD0000000, s2;
	s6 =	simm.s32 $0x108;
	_ =	swait.ge @!p0 [sflag:s8], $0x0  }
0x24: {  	s3 =	sadd.s32 $0x88, s3;
	s6 =	simm.s32 @!p1 $0x1082;
	[sflag:s4] =	ssyncset.s32 $0xFFFFF086  }
0x25: {  	[simem:s6], [sflag:s4] =	dma.local [hbm:s3], $0xF7A  }
0x26: {  	[smem:$0x3F9A] =	sst s1;
	(tag) =	ssettag s2;
	_ =	strace s9  }
0x27: {  	s1 =	sld [smem:$0x3FAA]  }
0x28: {  	s2 =	sld [smem:$0x3FAB]  }
0x29: {  	s4 =	sld [smem:$0x3FAD]  }
0x2a: {  	p0 =	seq.s32 s5, $0x0;
	s5 =	sld [smem:$0x3FAE]  }
0x2b: {  	s6 =	sld [smem:$0x3FAF]  }
0x2c: {  	s7 =	sld [smem:$0x3FB0]  }
0x2d: {  	s3 =	simm.s32 $0x108;
	s8 =	sld [smem:$0x3FB1]  }
0x2e: {  	s3 =	simm.s32 @!p0 $0x1082;
	s9 =	sld [smem:$0x3FB2]  }
0x2f: {  	lr =	sadd.s32 s0, s3;
	s0 =	sld [smem:$0x3FA9]  }
0x30: {  	s3 =	sld [smem:$0x3FAC]  }
0x31: {  	[smem:$0x3FB5] =	sst s10  }
0x32: {  	s10 =	sld [smem:$0x3FB3];
	_ =	sdelay $0x3  }
0x33: {  	p0 =	seq.s32 s10, $0x1;
	s10 =	sld [smem:$0x3FB5];
	_ =	sdelay $0x3  }
0x34: {  	[smem:$0x3FB5] =	sst s10  }
0x35: {  	s10 =	sld [smem:$0x3FB4];
	_ =	sdelay $0x3  }
0x36: {  	p1 =	seq.s32 s10, $0x1;
	s10 =	sld [smem:$0x3FB5];
	_ =	sdelay $0x3  }
0x37: {  	[smem:$0x3FB5] =	sst s10  }
0x38: {  	s10 =	sld [smem:$0x3FB6]  }
0x39: {  	_ = 	snop;
	(pc) =	sbr.ind lr, $3  }
0x3a: {  	_ = 	snop  }
0x3b: {  	_ = 	snop  }
0x3c: {  	p2 =	seq.s32 s10, $0x1;
	s10 =	sld [smem:$0x3FB5]  }
0x3d: {  	_ =	shalt  }
0x3e: {  	_ =	shalt  }
0x3f: {  	_ =	shalt  }
0x40: {  	_ =	shalt  }
0x41: {  	_ =	shalt  }
0x42: {  	_ =	shalt  }
0x43: {  	_ =	shalt  }
0x44: {  	_ =	shalt  }
0x45: {  	_ =	shalt  }
0x46: {  	_ =	shalt  }
0x47: {  	_ =	shalt  }
0x48: {  	_ =	shalt  }
0x49: {  	_ =	shalt  }
0x4a: {  	_ =	shalt  }
0x4b: {  	_ =	shalt  }
0x4c: {  	_ =	shalt  }
0x4d: {  	_ =	shalt  }
0x4e: {  	_ =	shalt  }
0x4f: {  	_ =	shalt  }
0x50: {  	_ =	shalt  }
0x51: {  	_ =	shalt  }
0x52: {  	_ =	shalt  }
0x53: {  	_ =	shalt  }
0x54: {  	_ =	shalt  }
0x55: {  	_ =	shalt  }
0x56: {  	_ =	shalt  }
0x57: {  	_ =	shalt  }
0x58: {  	_ =	shalt  }
0x59: {  	_ =	shalt  }
0x5a: {  	_ =	shalt  }
0x5b: {  	_ =	shalt  }
0x5c: {  	_ =	shalt  }
0x5d: {  	_ =	shalt  }
0x5e: {  	_ =	shalt  }
0x5f: {  	_ =	shalt  }
0x60: {  	_ =	shalt  }
0x61: {  	_ =	shalt  }
0x62: {  	_ =	shalt  }
0x63: {  	_ =	shalt  }
0x64: {  	_ =	shalt  }
0x65: {  	_ =	shalt  }
0x66: {  	_ =	shalt  }
0x67: {  	_ =	shalt  }
0x68: {  	_ =	shalt  }
0x69: {  	_ =	shalt  }
0x6a: {  	_ =	shalt  }
0x6b: {  	_ =	shalt  }
0x6c: {  	_ =	shalt  }
0x6d: {  	_ =	shalt  }
0x6e: {  	_ =	shalt  }
0x6f: {  	_ =	shalt  }
0x70: {  	_ =	shalt  }
0x71: {  	_ =	shalt  }
0x72: {  	_ =	shalt  }
0x73: {  	_ =	shalt  }
0x74: {  	_ =	shalt  }
0x75: {  	_ =	shalt  }
0x76: {  	_ =	shalt  }
0x77: {  	_ =	shalt  }
0x78: {  	_ =	shalt  }
0x79: {  	_ =	shalt  }
0x7a: {  	_ =	shalt  }
0x7b: {  	_ =	shalt  }
0x7c: {  	_ =	shalt  }
0x7d: {  	_ =	shalt  }
0x7e: {  	_ =	shalt  }
0x7f: {  	_ =	shalt  }
0x80: {  	_ =	shalt  }
0x81: {  	_ =	shalt  }
0x82: {  	_ =	shalt  }
0x83: {  	_ =	shalt  }
0x84: {  	_ =	shalt  }
0x85: {  	_ =	shalt  }
0x86: {  	_ =	shalt  }
0x87: {  	_ =	shalt  }
.Lfunc_end0:
.L_simem_size_0:
called_computation.1_lowered:
.L_overlay_start_0:
0x88: {  	s2 =	sld [smem:$0x3FD9]  }
0x89: {  	s3 =	sld [smem:$0x3FFE];
	_ =	sdelay $0x1  }
0x8a: {  	s1 =	srdreg.scid  }
0x8b: {  	s0 =	sand.u32 $0x1, s1  }
0x8c: {  	s17 =	sshll.u32 s0, $0xA;
	s2 =	sadd.s32 s3, s2  }
0x8d: {  	s2 =	sadd.s32 s2, s17  }
0x8e: {  	[smem:$0x3FC1] =	sst s2  }
0x8f: {  	_ = 	snop  }
0x90: {  	(tm) =	ssettm $0x1  }
0x91: {  	s18 =	sld [smem:$0x3FFB];
	_ =	sdelay $0x3  }
0x92: {  	_ =	strace s18  }
0x93: {  	s2 =	sld [smem:$0x3FFC];
	_ =	sdelay $0x3  }
0x94: {  	_ =	strace s2  }
0x95: {  	s2 =	sld [smem:$0x3FFD];
	_ =	sdelay $0x3  }
0x96: {  	_ =	strace s2  }
0x97: {  	_ =	strace $0x8FFFFFFF  }
0x98: {  	s19 =	sld [smem:$0x3FDB];
	_ =	sdelay $0x1  }
0x99: {  	s20 =	simm.s32 $_scs_section_size  }
0x9a: {  	s4 =	simm.s32 $_size__tile_overlayer_lowered;
	s5 =	simm.s32 $_tile_overlayer_lowered  }
0x9b: {  	s6 =	simm.s32 $0x1BFF;
	s21 =	sshll.u32 s5, $0x1;
	s3 =	sadd.s32 s20, s19  }
0x9c: {  	s22 =	simm.s32 $0x0;
	s4 =	sshll.u32 s4, $0x1;
	s5 =	sadd.s32 s21, s3  }
0x9d: {  	[timem:s22], [sflag:s6] =	dma.local [hbm:s5], s4  }
0x9e: {  	_ =	swait.ge [sflag:s6], s4  }
0x9f: {  	s4 =	ssub.s32 $0x0, s4;
	[sflag:s6] =	ssyncset.done $0x0  }
0xa0: {  	[sflag:s6] =	ssyncadd.s32 s4;
	_ =	sdelay $0x1  }
0xa1: {  	s23 =	simm.s32 $0x1B8B  }
0xa2: {  	_ =	swait.ge [sflag:s23], $0x1  }
0xa3: {  	[sflag:s23] =	ssyncset.done $0x0  }
0xa4: {  	[sflag:s23] =	ssyncadd.s32 $0xFFFFFFFF  }
0xa5: {  	s4 =	sld [smem:$0x0]  }
0xa6: {  	s5 =	sand.u32 $0xFFFFFFFE, s1  }
0xa7: {  	p0 =	sne.s32 s1, s5  }
0xa8: {  	s5 =	sshll.u32 @p0 s5, $0xE  }
0xa9: {  	s5 =	sadd.s32 @p0 $0x11B8D, s5;
	s6 =	sshll.u32 @p0 s4, $0x11  }
0xaa: {  	s5 =	sor.u32 @p0 s6, s5  }
0xab: {  	[sflag:s5] =	ssyncadd.remote.s32 @p0 $0x1;
	_ =	sdelay $0x1  }
0xac: {  	s5 =	simm.s32 @p0 $0x1B8D  }
0xad: {  	_ =	swait.eq @p0 [sflag:s5], $0x1  }
0xae: {  	[sflag:s5] =	ssyncadd.s32 @p0 $0xFFFFFFFF  }
0xaf: {  	s6 =	sshll.u32 @!p0 s1, $0xE  }
0xb0: {  	s6 =	sor.u32 @!p0 $0x4000, s6;
	s5 =	simm.s32 @!p0 $0x1B8D  }
0xb1: {  	s4 =	sshll.u32 @!p0 s4, $0x11;
	s6 =	sadd.s32 @!p0 $0x11B8D, s6;
	_ =	swait.eq @!p0 [sflag:s5], $0x1  }
0xb2: {  	s4 =	sor.u32 @!p0 s4, s6;
	[sflag:s5] =	ssyncadd.s32 @!p0 $0xFFFFFFFF  }
0xb3: {  	s25 =	simm.s32 $0x1B8E;
	s24 =	sld [smem:$0x3FFE];
	[sflag:s4] =	ssyncadd.remote.s32 @!p0 $0x1  }
0xb4: {  	s26 =	simm.s32 $execute0_lowered;
	[smem:$0x3FD2] =	sst s25  }
0xb5: {  	s5 =	sshll.u32 s26, $0x1;
	_ =	strace $0x80000049;
	[dreg:$0x1] =	wrdreg $0xFFFFFFFF  }
0xb6: {  	s28 =	simm.s32 $_size_execute0_lowered;
	s3 =	sadd.s32 s3, s5;
	[dreg:$0x0] =	wrdreg $0x0  }
0xb7: {  	s5 =	sshll.u32 s28, $0x1;
	[dreg:$0x2] =	wrdreg s3  }
0xb8: {  	[dreg:$0x3] =	wrdreg s5  }
0xb9: {  	[dreg:$0x4] =	wrdreg $0xC0  }
0xba: {  	_ =	task [dreg:s22], $0x5FFFF  }
0xbb: {  	[dreg:$0x1] =	wrdreg $0xFFFFFFFF  }
0xbc: {  	[dreg:$0x0] =	wrdreg $0x60  }
0xbd: {  	[dreg:$0x2] =	wrdreg s24  }
0xbe: {  	[dreg:$0x3] =	wrdreg $0xA  }
0xbf: {  	_ =	task.clear_ibuf [dreg:s22], $0x4FFFF;
	_ =	strace $0x90000049  }
0xc0: {  	s29 =	simm.s32 $0xA;
	_ =	strace $0x8000004B  }
0xc1: {  	_ =	swait.ge [sflag:s29], $0x1  }
0xc2: {  	[sflag:s29] =	ssyncadd.s32 $0xFFFFFFFF  }
0xc3: {  	_ =	strace $0x9000004B  }
0xc4: {  	_ =	sfence  }
0xc5: {  	s30 =	sld [smem:$0x0];
	_ =	sdelay $0x2  }
0xc6: {  	s31 =	sshll.u32 s1, $0xD;
	s1 =	sshrl.u32 s1, $0x2  }
0xc7: {  	s4 =	sand.u32 $0x4000, s31;
	s1 =	sadd.s32 s1, s30  }
0xc8: {  	s0 =	sor.u32 s4, s0;
	s1 =	sshll.u32 s1, $0x11  }
0xc9: {  	s0 =	sor.u32 s1, s0  }
0xca: {  	s0 =	sadd.s32 $0x8F2B, s0  }
0xcb: {  	[sflag:s0] =	ssyncadd.remote.s32 $0x1  }
0xcc: {  	_ =	sfence.sel $0xFFFF  }
0xcd: {  	[dreg:$0x0] =	wrdreg $0xFFFFFFFF;
	(pc) =	sbr.abs _section_cstart, $3  }
0xce: {  	[dreg:$0x1] =	wrdreg $0xFFFFFFFF  }
0xcf: {  	_ =	task.clear_ibuf [dreg:s22], $0x2FFFF;
	_ =	strace $0x9FFFFFFF  }
0xd0: {  	(tm) =	ssettm $0x7FFFFFFF  }
0xd1: {  	_ =	shalt  }
tec
execute0_lowered:
.L_overlay_start_1:
0x0: {  	(tag) =	ssettag $0x1  }
0x1: {  	s0 =	stileid.u32;
	s1 =	srdreg.scid  }
0x2: {  	s1 =	sand.u32 $0x1, s1;
	s2 =	sshll.u32 s0, $0x1  }
0x3: {  	s1 =	sor.u32 s2, s1  }
0x4: {  	s2 =	smul.u32 $0x13C0, s1;
	_ =	sdelay $0x1  }
0x5: {  	s6 =	ssub.s32 $0x4F000, s2  }
0x6: {  	s31 =	smulhi.u32 $0x19EC9, s6  }
0x7: {  	s8 =	rddreg [dreg:$0x0];
	s5 =	simm.s32 $0x1;
	s10 =	simm.s32 $0x3  }
0x8: {  	s13 =	simm.s32 $0x0;
	s12 =	simm.s32 $0x0;
	s7 =	sshrl.u32 s31, $0x2  }
0x9: {  	s3 =	sadd.s32 $0x40A00, s8;
	s4 =	sadd.s32 $0x36C00, s8;
	s9 =	smul.u32 $0x27800, s7  }
.Ltmp0:
0xa: {  	s8 =	sadd.s32 $0x7D000, s8;
	s1 =	rddreg [dreg:$0x1];
	(pc) =	sbr.rel .LBB2_1-.Ltmp0, $4  }
0xb: {  	_ =	strace $0x8000004A;
	p0 =	sne.s32 s6, s9;
	s9 =	simm.s32 $0x1  }
0xc: {  	[sflag:s5] =	ssyncpa.u1 $0x0;
	s6 =	simm.s32 $0x2;
	s9 =	simm.s32 @!p0 $0x0  }
0xd: {  	s11 =	smov.u32 s2;
	[sflag:s6] =	ssyncpa.u1 $0x0;
	s7 =	sadd.s32 s9, s7  }
0xe: {  	vm0 =	vmmov $0xffff;
	[sflag:s10] =	ssyncpa.u1 $0x0;
	s10 =	simm.s32 $0x0;
	s9 =	sadd.s32 $0x1, s7  }
.LBB2_4:
0xf: {  	v2 =	vnsel vm1, $0x0, v2  }
0x10: {  	vm1 =	vgt.s32 v0, $0x0;
	v2 =	vmin.u32 v2, $0x530FF  }
0x11: {  	v0 =	vnsel vm1, $0x0, v0  }
0x12: {  	v0 =	vmin.u32 v0, $0x530FF  }
0x13: {  	[tilespmem:s18], [sflag:$0x1] =	stream.indirect_vreg.gather [hbm4b:s3+s10], $0x1, v1, vm0, $0x4038;
	[tilespmem:$0x4F00] =	vst v63  }
0x14: {  	(ifvalue) =	ssetifvalue $0x7FFFFFFF  }
0x15: {  	[tilespmem:s15], [sflag:$0x1] =	stream.indirect_vreg.gather [hbm4b:s3+s10], $0x1, v2, vm0, $0x4038;
	[tilespmem:$0x4F00] =	vst v63  }
0x16: {  	s29 =	sadd.s32 $0x10, s15;
	(ifvalue) =	ssetifvalue $0x7FFFFFFF  }
0x17: {  	[tilespmem:s29], [sflag:$0x1] =	stream.indirect_vreg.gather [hbm4b:s3+s10], $0x1, v0, vm0, $0x4038;
	[tilespmem:$0x4F00] =	vst v63  }
0x18: {  	_ =	swait.ge [sflag:s5], $0x13C0  }
0x19: {  	s30 =	sshrl.u32 s13, $0x3;
	[sflag:s5] =	ssyncset.done $0x0  }
0x1a: {  	s31 =	sand.u32 $0x7, s13;
	s15 =	sadd.s32 s8, s30;
	[sflag:s5] =	ssyncadd.s32 $0xFFFFEC40  }
0x1b: {  	[hbm4b:s15+s31] =	stream.linear.scatter [tilespmem:s14], [sflag:$0x3], $0x13C0, $0x38;
	[tilespmem:$0x4F00] =	vst v63  }
.LBB2_5:
0x1c: {  	s15 =	sadd.s32 $0x27800, s11  }
0x1d: {  	p1 =	sgt.s32 s15, $0x4EFFF  }
0x1e: {  	s15 =	smov.u32 @p1 s2;
	p1 =	sne.s32 s12, s9  }
.Ltmp1:
0x1f: {  	p0 =	slt.u32 s12, $0x2;
	(pc) =	sbr.rel @!p1 .LBB2_6-.Ltmp1, $4  }
0x20: {  	s14 =	simm.s32 @!p0 $0x3  }
0x21: {  	_ =	swait.ge @!p0 [sflag:s14], $0x13C0  }
0x22: {  	s16 =	sadd.s32 $0x1, s12;
	s13 =	smov.u32 s11;
	[sflag:s14] =	ssyncset.done @!p0 $0x0  }
0x23: {  	s12 =	smov.u32 s16;
	s11 =	smov.u32 s15;
	[sflag:s14] =	ssyncadd.s32 @!p0 $0xFFFFEC40  }
.LBB2_1:
0x24: {  	p0 =	sge.u32 s12, s7  }
0x25: {  	s14 =	sxor.u32 @!p0 $0xFFFFFFFF, s12  }
0x26: {  	s14 =	sand.u32 @!p0 $0x1, s14  }
0x27: {  	s14 =	smul.u32 @!p0 $0x4F00, s14  }
0x28: {  	s31 =	sadd.s32 $0xFFFFFFFF, s12;
	s15 =	sshrl.u32 @!p0 s11, $0x3  }
0x29: {  	s16 =	sand.u32 @!p0 $0x7, s11;
	s15 =	sadd.s32 @!p0 s4, s15;
	s14 =	sshrl.u32 @!p0 s14, $0x2  }
0x2a: {  	[tilespmem:s14], [sflag:$0x2] =	stream.linear.gather @!p0 [hbm4b:s15+s16], $0x13C0, $0x38;
	[tilespmem:$0x4F00] =	vst v63  }
0x2b: {  	p0 =	sge.u32 s31, s7  }
.Ltmp2:
0x2c: {  	_ = 	snop;
	(pc) =	sbr.rel @p0 .LBB2_5-.Ltmp2, $1  }
0x2d: {  	_ =	sdelay $0x3  }
0x2e: {  	s14 =	sand.u32 $0x1, s12  }
0x2f: {  	_ =	swait.ge [sflag:s6], $0x13C0;
	p0 =	seq.s32 s14, $0x1;
	s14 =	simm.s32 $0x13C0  }
0x30: {  	[sflag:s6] =	ssyncset.done $0x0;
	s14 =	simm.s32 @!p0 $0x0  }
0x31: {  	[sflag:s6] =	ssyncadd.s32 $0xFFFFEC40;
	(ifvalue) =	ssetifvalue $0x7FFFFFFF;
	v0 =	vld.msk [tilespmem:s14+$0x0 ss:$0x1], $0xffff;
	_ =	sdelay $0x4  }
0x32: {  	s15 =	sadd.s32 $0x10, s14;
	vm1 =	vgt.s32 v0, $0x0  }
0x33: {  	v2 =	vld.msk [tilespmem:s15+$0x0 ss:$0x1], $0xffff;
	v1 =	vnsel vm1, $0x0, v0  }
0x34: {  	v1 =	vmin.u32 v1, $0x530FF;
	_ =	sdelay $0x2  }
0x35: {  	s17 =	simm.s32 $0x20;
	s14 =	sadd.s32 $0x2780, s14;
	s16 =	sadd.s32 $0x10, s15  }
0x36: {  	s15 =	sadd.s32 $0x10, s14;
	s18 =	smov.u32 s14;
	v0 =	vld.msk [tilespmem:s16+$0x0 ss:$0x1], $0xffff;
	vm1 =	vgt.s32 v2, $0x0;
	(ifvalue) =	ssetifvalue $0x7FFFFFFF  }
.LBB2_3:
0x37: {  	[tilespmem:s18], [sflag:$0x1] =	stream.indirect_vreg.gather [hbm4b:s3+s10], $0x1, v1, vm0, $0x4038;
	[tilespmem:$0x4F00] =	vst v63  }
0x38: {  	s17 =	sadd.s32 $0x10, s17  }
0x39: {  	v2 =	vnsel vm1, $0x0, v2;
	p0 =	slt.u32 s17, $0x13B0  }
.Ltmp3:
0x3a: {  	s18 =	smov.u32 s15;
	v1 =	vmin.u32 v2, $0x530FF;
	(pc) =	sbr.rel @p0 .LBB2_3-.Ltmp3, $3  }
0x3b: {  	_ =	sdelay $0x1  }
0x3c: {  	s16 =	sadd.s32 $0x10, s16  }
0x3d: {  	vm1 =	vgt.s32 v0, $0x0;
	s15 =	sadd.s32 $0x10, s15;
	v2 =	vmov v0;
	(ifvalue) =	ssetifvalue $0x7FFFFFFF;
	v0 =	vld.msk [tilespmem:s16+$0x0 ss:$0x1], $0xffff  }
.Ltmp4:
0x3e: {  	_ = 	snop;
	(pc) =	sbr.rel .LBB2_4-.Ltmp4, $1  }
0x3f: {  	_ =	sdelay $0x3  }
.LBB2_6:
0x40: {  	_ =	sfence.sel $0x180000  }
0x41: {  	s2 =	simm.s32 $0x2;
	[bflag:$0x0] =	sbarrier.arrive $0xFFFF  }
0x42: {  	s30 =	simm.s32 $0x3;
	[sflag:s2] =	ssyncpa.u1 $0x1  }
0x43: {  	s31 =	simm.s32 $0x1;
	[sflag:s30] =	ssyncpa.u1 $0x1  }
0x44: {  	[sflag:s31] =	ssyncpa.u1 $0x1  }
0x45: {  	p0 =	sne.s32 s0, $0x0;
	_ =	strace $0x9000004A  }
0x46: {  	s0 =	sadd.s32 @!p0 $0x100000, s1;
	[bflag:$0x2] =	sbarrier.arrive $0xFFFF  }
0x47: {  	[sflag:s0] =	ssyncadd.tile.s32 @!p0 $0x1;
	_ =	shalt  }
.Lfunc_end2:
_tile_overlayer_lowered:
.L_overlay_start_2:
0x48: {  	(tag) =	ssettag $0x2  }
0x49: {  	s0 =	rddreg [dreg:$0x0];
	s2 =	stileid.u32  }
0x4a: {  	s1 =	rddreg [dreg:$0x1];
	p0 =	sne.s32 s2, $0x0  }
0x4b: {  	s3 =	rddreg [dreg:$0x2];
	[bflag:$0x3] =	sbarrier.arrive $0xFFFF;
	s2 =	simm.s32 @!p0 $0x1C01  }
0x4c: {  	[timem:s3], [sflag:s2] =	dma.local @!p0 [hbm:s0], s1  }
0x4d: {  	s0 =	simm.s32 @!p0 $0x1  }
0x4e: {  	_ =	swait.ge @!p0 [sflag:s0], s1  }
0x4f: {  	s1 =	ssub.s32 @!p0 $0x0, s1;
	[sflag:s0] =	ssyncset.done @!p0 $0x0  }
0x50: {  	[sflag:s0] =	ssyncadd.s32 @!p0 s1  }
0x51: {  	[bflag:$0x3] =	sbarrier.arrive $0xFFFF  }
0x52: {  	_ =	shalt  }

// kernel: gather_offload_async_start
scs
__scs_entry_jumppad:
0x0: {  	(pc) =	sbr.rel $0x88, $3  }
0x1: {  	(tag) =	ssettag $0x0;
	lr =	simm.s32 $0x1  }
0x2: {  	[smem:$0x3F9A] =	sst lr;
	_ =	strace $0xD0000000  }
0x3: {  	_ = 	snop  }
0x4: {  	_ = 	snop  }
0x5: {  	_ = 	snop  }
0x6: {  	_ = 	snop  }
0x7: {  	_ = 	snop  }
__scs_overlays_trampoline_lowered:
0x8: {  	[smem:$0x3FA9] =	sst s0  }
0x9: {  	[smem:$0x3FAA] =	sst s1  }
0xa: {  	[smem:$0x3FAB] =	sst s2  }
0xb: {  	[smem:$0x3FAC] =	sst s3  }
0xc: {  	[smem:$0x3FAD] =	sst s4  }
0xd: {  	[smem:$0x3FAE] =	sst s5  }
0xe: {  	[smem:$0x3FAF] =	sst s6  }
0xf: {  	[smem:$0x3FB0] =	sst s7  }
0x10: {  	[smem:$0x3FB1] =	sst s8  }
0x11: {  	[smem:$0x3FB2] =	sst s9;
	s0 =	simm.s32 @!p0 $0x0  }
0x12: {  	s1 =	sld [smem:$0x3F98];
	s0 =	simm.s32 @p0 $0x1  }
0x13: {  	[smem:$0x3FB3] =	sst s0;
	s0 =	simm.s32 @!p1 $0x0  }
0x14: {  	s2 =	sld [smem:$0x3F97];
	s0 =	simm.s32 @p1 $0x1  }
0x15: {  	[smem:$0x3FB4] =	sst s0;
	s0 =	simm.s32 @!p2 $0x0  }
0x16: {  	s3 =	sld [smem:$0x3FDB];
	s0 =	simm.s32 @p2 $0x1  }
0x17: {  	s4 =	simm.s32 $0x1BF5;
	[smem:$0x3FB6] =	sst s0  }
0x18: {  	s0 =	sld [smem:$0x3F99];
	_ =	swait.ge [sflag:s4], $0x0  }
0x19: {  	s7 =	sld [smem:$0x3F9A]  }
0x1a: {  	s8 =	sadd.s32 $0xFFFFE003, lr  }
0x1b: {  	s9 =	sadd.s32 $0xFFFFFEF7, lr;
	s5 =	simm.s32 $0xFFFFFFFF;
	p2 =	slt.u32 s8, $0xFFFFF086  }
0x1c: {  	p1 =	slt.u32 s9, $0xF7A;
	s5 =	simm.s32 @!p2 $0x0  }
0x1d: {  	s5 =	simm.s32 @p1 $0x1;
	p0 =	seq.s32 s7, s2  }
0x1e: {  	s7 =	smul.u32 @!p0 $0xF7A, s2;
	p2 =	seq.s32 @!p0 s5, $0x0  }
0x1f: {  	s9 =	smul.u32 $0xF7A, s1;
	s8 =	simm.s32 @!p0 $0x1BF5;
	p2 =	por !p2, p0  }
0x20: {  	[sflag:s8] =	ssyncset.s32 @!p0 $0xFFFFF086;
	s6 =	sadd.s32 @!p0 s3, s7;
	s7 =	simm.s32 @!p0 $0x108  }
0x21: {  	s3 =	sadd.s32 s3, s9;
	s6 =	sadd.s32 @!p0 $0x88, s6;
	s7 =	simm.s32 @p2 $0x1082  }
0x22: {  	[simem:s7], [sflag:s8] =	dma.local @!p0 [hbm:s6], $0xF7A  }
0x23: {  	s9 =	sor.u32 $0xD0000000, s2;
	s6 =	simm.s32 $0x108;
	_ =	swait.ge @!p0 [sflag:s8], $0x0  }
0x24: {  	s3 =	sadd.s32 $0x88, s3;
	s6 =	simm.s32 @!p1 $0x1082;
	[sflag:s4] =	ssyncset.s32 $0xFFFFF086  }
0x25: {  	[simem:s6], [sflag:s4] =	dma.local [hbm:s3], $0xF7A  }
0x26: {  	[smem:$0x3F9A] =	sst s1;
	(tag) =	ssettag s2;
	_ =	strace s9  }
0x27: {  	s1 =	sld [smem:$0x3FAA]  }
0x28: {  	s2 =	sld [smem:$0x3FAB]  }
0x29: {  	s4 =	sld [smem:$0x3FAD]  }
0x2a: {  	p0 =	seq.s32 s5, $0x0;
	s5 =	sld [smem:$0x3FAE]  }
0x2b: {  	s6 =	sld [smem:$0x3FAF]  }
0x2c: {  	s7 =	sld [smem:$0x3FB0]  }
0x2d: {  	s3 =	simm.s32 $0x108;
	s8 =	sld [smem:$0x3FB1]  }
0x2e: {  	s3 =	simm.s32 @!p0 $0x1082;
	s9 =	sld [smem:$0x3FB2]  }
0x2f: {  	lr =	sadd.s32 s0, s3;
	s0 =	sld [smem:$0x3FA9]  }
0x30: {  	s3 =	sld [smem:$0x3FAC]  }
0x31: {  	[smem:$0x3FB5] =	sst s10  }
0x32: {  	s10 =	sld [smem:$0x3FB3];
	_ =	sdelay $0x3  }
0x33: {  	p0 =	seq.s32 s10, $0x1;
	s10 =	sld [smem:$0x3FB5];
	_ =	sdelay $0x3  }
0x34: {  	[smem:$0x3FB5] =	sst s10  }
0x35: {  	s10 =	sld [smem:$0x3FB4];
	_ =	sdelay $0x3  }
0x36: {  	p1 =	seq.s32 s10, $0x1;
	s10 =	sld [smem:$0x3FB5];
	_ =	sdelay $0x3  }
0x37: {  	[smem:$0x3FB5] =	sst s10  }
0x38: {  	s10 =	sld [smem:$0x3FB6]  }
0x39: {  	_ = 	snop;
	(pc) =	sbr.ind lr, $3  }
0x3a: {  	_ = 	snop  }
0x3b: {  	_ = 	snop  }
0x3c: {  	p2 =	seq.s32 s10, $0x1;
	s10 =	sld [smem:$0x3FB5]  }
0x3d: {  	_ =	shalt  }
0x3e: {  	_ =	shalt  }
0x3f: {  	_ =	shalt  }
0x40: {  	_ =	shalt  }
0x41: {  	_ =	shalt  }
0x42: {  	_ =	shalt  }
0x43: {  	_ =	shalt  }
0x44: {  	_ =	shalt  }
0x45: {  	_ =	shalt  }
0x46: {  	_ =	shalt  }
0x47: {  	_ =	shalt  }
0x48: {  	_ =	shalt  }
0x49: {  	_ =	shalt  }
0x4a: {  	_ =	shalt  }
0x4b: {  	_ =	shalt  }
0x4c: {  	_ =	shalt  }
0x4d: {  	_ =	shalt  }
0x4e: {  	_ =	shalt  }
0x4f: {  	_ =	shalt  }
0x50: {  	_ =	shalt  }
0x51: {  	_ =	shalt  }
0x52: {  	_ =	shalt  }
0x53: {  	_ =	shalt  }
0x54: {  	_ =	shalt  }
0x55: {  	_ =	shalt  }
0x56: {  	_ =	shalt  }
0x57: {  	_ =	shalt  }
0x58: {  	_ =	shalt  }
0x59: {  	_ =	shalt  }
0x5a: {  	_ =	shalt  }
0x5b: {  	_ =	shalt  }
0x5c: {  	_ =	shalt  }
0x5d: {  	_ =	shalt  }
0x5e: {  	_ =	shalt  }
0x5f: {  	_ =	shalt  }
0x60: {  	_ =	shalt  }
0x61: {  	_ =	shalt  }
0x62: {  	_ =	shalt  }
0x63: {  	_ =	shalt  }
0x64: {  	_ =	shalt  }
0x65: {  	_ =	shalt  }
0x66: {  	_ =	shalt  }
0x67: {  	_ =	shalt  }
0x68: {  	_ =	shalt  }
0x69: {  	_ =	shalt  }
0x6a: {  	_ =	shalt  }
0x6b: {  	_ =	shalt  }
0x6c: {  	_ =	shalt  }
0x6d: {  	_ =	shalt  }
0x6e: {  	_ =	shalt  }
0x6f: {  	_ =	shalt  }
0x70: {  	_ =	shalt  }
0x71: {  	_ =	shalt  }
0x72: {  	_ =	shalt  }
0x73: {  	_ =	shalt  }
0x74: {  	_ =	shalt  }
0x75: {  	_ =	shalt  }
0x76: {  	_ =	shalt  }
0x77: {  	_ =	shalt  }
0x78: {  	_ =	shalt  }
0x79: {  	_ =	shalt  }
0x7a: {  	_ =	shalt  }
0x7b: {  	_ =	shalt  }
0x7c: {  	_ =	shalt  }
0x7d: {  	_ =	shalt  }
0x7e: {  	_ =	shalt  }
0x7f: {  	_ =	shalt  }
0x80: {  	_ =	shalt  }
0x81: {  	_ =	shalt  }
0x82: {  	_ =	shalt  }
0x83: {  	_ =	shalt  }
0x84: {  	_ =	shalt  }
0x85: {  	_ =	shalt  }
0x86: {  	_ =	shalt  }
0x87: {  	_ =	shalt  }
.Lfunc_end0:
.L_simem_size_0:
called_computation_lowered:
.L_overlay_start_0:
0x88: {  	s2 =	sld [smem:$0x3FD9]  }
0x89: {  	s3 =	sld [smem:$0x3FFE];
	_ =	sdelay $0x1  }
0x8a: {  	s1 =	srdreg.scid  }
0x8b: {  	s0 =	sand.u32 $0x1, s1  }
0x8c: {  	s17 =	sshll.u32 s0, $0xA;
	s2 =	sadd.s32 s3, s2  }
0x8d: {  	s2 =	sadd.s32 s2, s17  }
0x8e: {  	[smem:$0x3FC1] =	sst s2  }
0x8f: {  	_ = 	snop  }
0x90: {  	s2 =	sld [smem:$0x3FD0];
	(tm) =	ssettm $0x1  }
0x91: {  	s18 =	sld [smem:$0x3FFB];
	_ =	sdelay $0x3  }
0x92: {  	_ =	strace s18  }
0x93: {  	s3 =	sld [smem:$0x3FFC];
	_ =	sdelay $0x3  }
0x94: {  	_ =	strace s3  }
0x95: {  	s3 =	sld [smem:$0x3FFD];
	_ =	sdelay $0x3  }
0x96: {  	_ =	strace s3  }
0x97: {  	_ =	strace $0x8FFFFFFF  }
0x98: {  	s19 =	sld [smem:$0x3FDB];
	_ =	sdelay $0x1  }
0x99: {  	s4 =	simm.s32 $_scs_section_size  }
0x9a: {  	s5 =	simm.s32 $_size__tile_overlayer_lowered;
	s6 =	simm.s32 $_tile_overlayer_lowered  }
0x9b: {  	s22 =	simm.s32 $0x1BFF;
	s21 =	sshll.u32 s6, $0x1;
	s3 =	sadd.s32 s4, s19  }
0x9c: {  	s7 =	simm.s32 $0x0;
	s20 =	sshll.u32 s5, $0x1;
	s5 =	sadd.s32 s21, s3  }
0x9d: {  	[timem:s7], [sflag:s22] =	dma.local [hbm:s5], s20  }
0x9e: {  	_ =	swait.ge [sflag:s22], s20  }
0x9f: {  	s4 =	ssub.s32 $0x0, s20;
	[sflag:s22] =	ssyncset.done $0x0  }
0xa0: {  	[sflag:s22] =	ssyncadd.s32 s4;
	_ =	sdelay $0x1  }
0xa1: {  	s23 =	simm.s32 $0x1B8B  }
0xa2: {  	_ =	swait.ge [sflag:s23], $0x1  }
0xa3: {  	[sflag:s23] =	ssyncset.done $0x0  }
0xa4: {  	s25 =	simm.s32 $0x1B8E;
	s24 =	sld [smem:$0x3FFE];
	[sflag:s23] =	ssyncadd.s32 $0xFFFFFFFF  }
0xa5: {  	s26 =	simm.s32 $execute0_lowered;
	[smem:$0x3FD2] =	sst s25  }
0xa6: {  	s5 =	sshll.u32 s26, $0x1;
	_ =	strace $0x80000046;
	[dreg:$0x1] =	wrdreg $0xFFFFFFFF  }
0xa7: {  	s28 =	simm.s32 $_size_execute0_lowered;
	s3 =	sadd.s32 s3, s5;
	[dreg:$0x0] =	wrdreg $0x0  }
0xa8: {  	s5 =	sshll.u32 s28, $0x1;
	[dreg:$0x2] =	wrdreg s3  }
0xa9: {  	[dreg:$0x3] =	wrdreg s5  }
0xaa: {  	[dreg:$0x4] =	wrdreg $0xC0  }
0xab: {  	_ =	task [dreg:s7], $0x5FFFF  }
0xac: {  	[dreg:$0x1] =	wrdreg $0xFFFFFFFF  }
0xad: {  	[dreg:$0x0] =	wrdreg $0x60  }
0xae: {  	[dreg:$0x2] =	wrdreg s2  }
0xaf: {  	[dreg:$0x3] =	wrdreg s24  }
0xb0: {  	[dreg:$0x4] =	wrdreg $0x9  }
0xb1: {  	_ =	task.clear_ibuf [dreg:s7], $0x5FFFF;
	_ =	strace $0x90000046  }
0xb2: {  	s29 =	simm.s32 $0x9;
	_ =	strace $0x80000048  }
0xb3: {  	_ =	swait.ge [sflag:s29], $0x1  }
0xb4: {  	[sflag:s29] =	ssyncadd.s32 $0xFFFFFFFF  }
0xb5: {  	_ =	strace $0x90000048  }
0xb6: {  	_ =	sfence  }
0xb7: {  	s30 =	sld [smem:$0x0];
	_ =	sdelay $0x2  }
0xb8: {  	s31 =	sshll.u32 s1, $0xD;
	s1 =	sshrl.u32 s1, $0x2  }
0xb9: {  	s3 =	sand.u32 $0x4000, s31;
	s1 =	sadd.s32 s1, s30  }
0xba: {  	s0 =	sor.u32 s3, s0;
	s1 =	sshll.u32 s1, $0x11  }
0xbb: {  	s0 =	sor.u32 s1, s0  }
0xbc: {  	s0 =	sadd.s32 $0x8F2B, s0  }
0xbd: {  	[sflag:s0] =	ssyncadd.remote.s32 $0x1  }
0xbe: {  	_ =	sfence.sel $0xFFFF  }
0xbf: {  	[dreg:$0x0] =	wrdreg $0xFFFFFFFF;
	(pc) =	sbr.abs _section_cstart, $3  }
0xc0: {  	[dreg:$0x1] =	wrdreg $0xFFFFFFFF  }
0xc1: {  	_ =	task.clear_ibuf [dreg:s7], $0x2FFFF;
	_ =	strace $0x9FFFFFFF  }
0xc2: {  	(tm) =	ssettm $0x7FFFFFFF  }
0xc3: {  	_ =	shalt  }
tec
execute0_lowered:
.L_overlay_start_1:
0x0: {  	(tag) =	ssettag $0x1  }
0x1: {  	s0 =	stileid.u32;
	s1 =	srdreg.scid  }
0x2: {  	s1 =	sand.u32 $0x1, s1;
	s2 =	sshll.u32 s0, $0x1  }
0x3: {  	s1 =	sor.u32 s2, s1  }
0x4: {  	s2 =	smul.u32 $0x13C0, s1;
	_ =	sdelay $0x1  }
0x5: {  	s6 =	ssub.s32 $0x4F000, s2  }
0x6: {  	s3 =	rddreg [dreg:$0x0];
	s31 =	smulhi.u32 $0x19EC9, s6  }
0x7: {  	s8 =	rddreg [dreg:$0x1];
	s5 =	simm.s32 $0x1  }
0x8: {  	s10 =	simm.s32 $0x3;
	s13 =	simm.s32 $0x0;
	s7 =	sshrl.u32 s31, $0x2  }
0x9: {  	s12 =	simm.s32 $0x0;
	s4 =	sadd.s32 $0x36C00, s8;
	s9 =	smul.u32 $0x27800, s7  }
.Ltmp0:
0xa: {  	s8 =	sadd.s32 $0x73200, s8;
	s1 =	rddreg [dreg:$0x2];
	(pc) =	sbr.rel .LBB2_1-.Ltmp0, $4  }
0xb: {  	_ =	strace $0x80000047;
	p0 =	sne.s32 s6, s9;
	s9 =	simm.s32 $0x1  }
0xc: {  	[sflag:s5] =	ssyncpa.u1 $0x0;
	s6 =	simm.s32 $0x2;
	s9 =	simm.s32 @!p0 $0x0  }
0xd: {  	s11 =	smov.u32 s2;
	[sflag:s6] =	ssyncpa.u1 $0x0;
	s7 =	sadd.s32 s9, s7  }
0xe: {  	vm0 =	vmmov $0xffff;
	[sflag:s10] =	ssyncpa.u1 $0x0;
	s10 =	simm.s32 $0x0;
	s9 =	sadd.s32 $0x1, s7  }
.LBB2_4:
0xf: {  	v2 =	vnsel vm1, $0x0, v2  }
0x10: {  	vm1 =	vgt.s32 v0, $0x0;
	v2 =	vmin.u32 v2, $0x530FF  }
0x11: {  	v0 =	vnsel vm1, $0x0, v0  }
0x12: {  	v0 =	vmin.u32 v0, $0x530FF  }
0x13: {  	[tilespmem:s18], [sflag:$0x1] =	stream.indirect_vreg.gather [hbm4b:s3+s10], $0x1, v1, vm0, $0x4038;
	[tilespmem:$0x4F00] =	vst v63  }
0x14: {  	(ifvalue) =	ssetifvalue $0x7FFFFFFF  }
0x15: {  	[tilespmem:s15], [sflag:$0x1] =	stream.indirect_vreg.gather [hbm4b:s3+s10], $0x1, v2, vm0, $0x4038;
	[tilespmem:$0x4F00] =	vst v63  }
0x16: {  	s29 =	sadd.s32 $0x10, s15;
	(ifvalue) =	ssetifvalue $0x7FFFFFFF  }
0x17: {  	[tilespmem:s29], [sflag:$0x1] =	stream.indirect_vreg.gather [hbm4b:s3+s10], $0x1, v0, vm0, $0x4038;
	[tilespmem:$0x4F00] =	vst v63  }
0x18: {  	_ =	swait.ge [sflag:s5], $0x13C0  }
0x19: {  	s30 =	sshrl.u32 s13, $0x3;
	[sflag:s5] =	ssyncset.done $0x0  }
0x1a: {  	s31 =	sand.u32 $0x7, s13;
	s15 =	sadd.s32 s8, s30;
	[sflag:s5] =	ssyncadd.s32 $0xFFFFEC40  }
0x1b: {  	[hbm4b:s15+s31] =	stream.linear.scatter [tilespmem:s14], [sflag:$0x3], $0x13C0, $0x38;
	[tilespmem:$0x4F00] =	vst v63  }
.LBB2_5:
0x1c: {  	s15 =	sadd.s32 $0x27800, s11  }
0x1d: {  	p1 =	sgt.s32 s15, $0x4EFFF  }
0x1e: {  	s15 =	smov.u32 @p1 s2;
	p1 =	sne.s32 s12, s9  }
.Ltmp1:
0x1f: {  	p0 =	slt.u32 s12, $0x2;
	(pc) =	sbr.rel @!p1 .LBB2_6-.Ltmp1, $4  }
0x20: {  	s14 =	simm.s32 @!p0 $0x3  }
0x21: {  	_ =	swait.ge @!p0 [sflag:s14], $0x13C0  }
0x22: {  	s16 =	sadd.s32 $0x1, s12;
	s13 =	smov.u32 s11;
	[sflag:s14] =	ssyncset.done @!p0 $0x0  }
0x23: {  	s12 =	smov.u32 s16;
	s11 =	smov.u32 s15;
	[sflag:s14] =	ssyncadd.s32 @!p0 $0xFFFFEC40  }
.LBB2_1:
0x24: {  	p0 =	sge.u32 s12, s7  }
0x25: {  	s14 =	sxor.u32 @!p0 $0xFFFFFFFF, s12  }
0x26: {  	s14 =	sand.u32 @!p0 $0x1, s14  }
0x27: {  	s14 =	smul.u32 @!p0 $0x4F00, s14  }
0x28: {  	s31 =	sadd.s32 $0xFFFFFFFF, s12;
	s15 =	sshrl.u32 @!p0 s11, $0x3  }
0x29: {  	s16 =	sand.u32 @!p0 $0x7, s11;
	s15 =	sadd.s32 @!p0 s4, s15;
	s14 =	sshrl.u32 @!p0 s14, $0x2  }
0x2a: {  	[tilespmem:s14], [sflag:$0x2] =	stream.linear.gather @!p0 [hbm4b:s15+s16], $0x13C0, $0x38;
	[tilespmem:$0x4F00] =	vst v63  }
0x2b: {  	p0 =	sge.u32 s31, s7  }
.Ltmp2:
0x2c: {  	_ = 	snop;
	(pc) =	sbr.rel @p0 .LBB2_5-.Ltmp2, $1  }
0x2d: {  	_ =	sdelay $0x3  }
0x2e: {  	s14 =	sand.u32 $0x1, s12  }
0x2f: {  	_ =	swait.ge [sflag:s6], $0x13C0;
	p0 =	seq.s32 s14, $0x1;
	s14 =	simm.s32 $0x13C0  }
0x30: {  	[sflag:s6] =	ssyncset.done $0x0;
	s14 =	simm.s32 @!p0 $0x0  }
0x31: {  	[sflag:s6] =	ssyncadd.s32 $0xFFFFEC40;
	(ifvalue) =	ssetifvalue $0x7FFFFFFF;
	v0 =	vld.msk [tilespmem:s14+$0x0 ss:$0x1], $0xffff;
	_ =	sdelay $0x4  }
0x32: {  	s15 =	sadd.s32 $0x10, s14;
	vm1 =	vgt.s32 v0, $0x0  }
0x33: {  	v2 =	vld.msk [tilespmem:s15+$0x0 ss:$0x1], $0xffff;
	v1 =	vnsel vm1, $0x0, v0  }
0x34: {  	v1 =	vmin.u32 v1, $0x530FF;
	_ =	sdelay $0x2  }
0x35: {  	s17 =	simm.s32 $0x20;
	s14 =	sadd.s32 $0x2780, s14;
	s16 =	sadd.s32 $0x10, s15  }
0x36: {  	s15 =	sadd.s32 $0x10, s14;
	s18 =	smov.u32 s14;
	v0 =	vld.msk [tilespmem:s16+$0x0 ss:$0x1], $0xffff;
	vm1 =	vgt.s32 v2, $0x0;
	(ifvalue) =	ssetifvalue $0x7FFFFFFF  }
.LBB2_3:
0x37: {  	[tilespmem:s18], [sflag:$0x1] =	stream.indirect_vreg.gather [hbm4b:s3+s10], $0x1, v1, vm0, $0x4038;
	[tilespmem:$0x4F00] =	vst v63  }
0x38: {  	s17 =	sadd.s32 $0x10, s17  }
0x39: {  	v2 =	vnsel vm1, $0x0, v2;
	p0 =	slt.u32 s17, $0x13B0  }
.Ltmp3:
0x3a: {  	s18 =	smov.u32 s15;
	v1 =	vmin.u32 v2, $0x530FF;
	(pc) =	sbr.rel @p0 .LBB2_3-.Ltmp3, $3  }
0x3b: {  	_ =	sdelay $0x1  }
0x3c: {  	s16 =	sadd.s32 $0x10, s16  }
0x3d: {  	vm1 =	vgt.s32 v0, $0x0;
	s15 =	sadd.s32 $0x10, s15;
	v2 =	vmov v0;
	(ifvalue) =	ssetifvalue $0x7FFFFFFF;
	v0 =	vld.msk [tilespmem:s16+$0x0 ss:$0x1], $0xffff  }
.Ltmp4:
0x3e: {  	_ = 	snop;
	(pc) =	sbr.rel .LBB2_4-.Ltmp4, $1  }
0x3f: {  	_ =	sdelay $0x3  }
.LBB2_6:
0x40: {  	_ =	sfence.sel $0x180000  }
0x41: {  	s2 =	simm.s32 $0x2;
	[bflag:$0x0] =	sbarrier.arrive $0xFFFF  }
0x42: {  	s30 =	simm.s32 $0x3;
	[sflag:s2] =	ssyncpa.u1 $0x1  }
0x43: {  	s31 =	simm.s32 $0x1;
	[sflag:s30] =	ssyncpa.u1 $0x1  }
0x44: {  	[sflag:s31] =	ssyncpa.u1 $0x1  }
0x45: {  	p0 =	sne.s32 s0, $0x0;
	_ =	strace $0x90000047  }
0x46: {  	s0 =	sadd.s32 @!p0 $0x100000, s1;
	[bflag:$0x2] =	sbarrier.arrive $0xFFFF  }
0x47: {  	[sflag:s0] =	ssyncadd.tile.s32 @!p0 $0x1;
	_ =	shalt  }
.Lfunc_end2:
_tile_overlayer_lowered:
.L_overlay_start_2:
0x48: {  	(tag) =	ssettag $0x2  }
0x49: {  	s0 =	rddreg [dreg:$0x0];
	s2 =	stileid.u32  }
0x4a: {  	s1 =	rddreg [dreg:$0x1];
	p0 =	sne.s32 s2, $0x0  }
0x4b: {  	s3 =	rddreg [dreg:$0x2];
	[bflag:$0x3] =	sbarrier.arrive $0xFFFF;
	s2 =	simm.s32 @!p0 $0x1C01  }
0x4c: {  	[timem:s3], [sflag:s2] =	dma.local @!p0 [hbm:s0], s1  }
0x4d: {  	s0 =	simm.s32 @!p0 $0x1  }
0x4e: {  	_ =	swait.ge @!p0 [sflag:s0], s1  }
0x4f: {  	s1 =	ssub.s32 @!p0 $0x0, s1;
	[sflag:s0] =	ssyncset.done @!p0 $0x0  }
0x50: {  	[sflag:s0] =	ssyncadd.s32 @!p0 s1  }
0x51: {  	[bflag:$0x3] =	sbarrier.arrive $0xFFFF  }
0x52: {  	_ =	shalt  }

// kernel: kernel.5.cloned.1.call-start
scs
__scs_entry_jumppad:
0x0: {  	(pc) =	sbr.rel $0x88, $3  }
0x1: {  	(tag) =	ssettag $0x0;
	lr =	simm.s32 $0x1  }
0x2: {  	[smem:$0x3F9A] =	sst lr;
	_ =	strace $0xD0000000  }
0x3: {  	_ = 	snop  }
0x4: {  	_ = 	snop  }
0x5: {  	_ = 	snop  }
0x6: {  	_ = 	snop  }
0x7: {  	_ = 	snop  }
__scs_overlays_trampoline_lowered:
0x8: {  	[smem:$0x3FA9] =	sst s0  }
0x9: {  	[smem:$0x3FAA] =	sst s1  }
0xa: {  	[smem:$0x3FAB] =	sst s2  }
0xb: {  	[smem:$0x3FAC] =	sst s3  }
0xc: {  	[smem:$0x3FAD] =	sst s4  }
0xd: {  	[smem:$0x3FAE] =	sst s5  }
0xe: {  	[smem:$0x3FAF] =	sst s6  }
0xf: {  	[smem:$0x3FB0] =	sst s7  }
0x10: {  	[smem:$0x3FB1] =	sst s8  }
0x11: {  	[smem:$0x3FB2] =	sst s9;
	s0 =	simm.s32 @!p0 $0x0  }
0x12: {  	s1 =	sld [smem:$0x3F98];
	s0 =	simm.s32 @p0 $0x1  }
0x13: {  	[smem:$0x3FB3] =	sst s0;
	s0 =	simm.s32 @!p1 $0x0  }
0x14: {  	s2 =	sld [smem:$0x3F97];
	s0 =	simm.s32 @p1 $0x1  }
0x15: {  	[smem:$0x3FB4] =	sst s0;
	s0 =	simm.s32 @!p2 $0x0  }
0x16: {  	s3 =	sld [smem:$0x3FDB];
	s0 =	simm.s32 @p2 $0x1  }
0x17: {  	s4 =	simm.s32 $0x1BF5;
	[smem:$0x3FB6] =	sst s0  }
0x18: {  	s0 =	sld [smem:$0x3F99];
	_ =	swait.ge [sflag:s4], $0x0  }
0x19: {  	s7 =	sld [smem:$0x3F9A]  }
0x1a: {  	s8 =	sadd.s32 $0xFFFFE003, lr  }
0x1b: {  	s9 =	sadd.s32 $0xFFFFFEF7, lr;
	s5 =	simm.s32 $0xFFFFFFFF;
	p2 =	slt.u32 s8, $0xFFFFF086  }
0x1c: {  	p1 =	slt.u32 s9, $0xF7A;
	s5 =	simm.s32 @!p2 $0x0  }
0x1d: {  	s5 =	simm.s32 @p1 $0x1;
	p0 =	seq.s32 s7, s2  }
0x1e: {  	s7 =	smul.u32 @!p0 $0xF7A, s2;
	p2 =	seq.s32 @!p0 s5, $0x0  }
0x1f: {  	s9 =	smul.u32 $0xF7A, s1;
	s8 =	simm.s32 @!p0 $0x1BF5;
	p2 =	por !p2, p0  }
0x20: {  	[sflag:s8] =	ssyncset.s32 @!p0 $0xFFFFF086;
	s6 =	sadd.s32 @!p0 s3, s7;
	s7 =	simm.s32 @!p0 $0x108  }
0x21: {  	s3 =	sadd.s32 s3, s9;
	s6 =	sadd.s32 @!p0 $0x88, s6;
	s7 =	simm.s32 @p2 $0x1082  }
0x22: {  	[simem:s7], [sflag:s8] =	dma.local @!p0 [hbm:s6], $0xF7A  }
0x23: {  	s9 =	sor.u32 $0xD0000000, s2;
	s6 =	simm.s32 $0x108;
	_ =	swait.ge @!p0 [sflag:s8], $0x0  }
0x24: {  	s3 =	sadd.s32 $0x88, s3;
	s6 =	simm.s32 @!p1 $0x1082;
	[sflag:s4] =	ssyncset.s32 $0xFFFFF086  }
0x25: {  	[simem:s6], [sflag:s4] =	dma.local [hbm:s3], $0xF7A  }
0x26: {  	[smem:$0x3F9A] =	sst s1;
	(tag) =	ssettag s2;
	_ =	strace s9  }
0x27: {  	s1 =	sld [smem:$0x3FAA]  }
0x28: {  	s2 =	sld [smem:$0x3FAB]  }
0x29: {  	s4 =	sld [smem:$0x3FAD]  }
0x2a: {  	p0 =	seq.s32 s5, $0x0;
	s5 =	sld [smem:$0x3FAE]  }
0x2b: {  	s6 =	sld [smem:$0x3FAF]  }
0x2c: {  	s7 =	sld [smem:$0x3FB0]  }
0x2d: {  	s3 =	simm.s32 $0x108;
	s8 =	sld [smem:$0x3FB1]  }
0x2e: {  	s3 =	simm.s32 @!p0 $0x1082;
	s9 =	sld [smem:$0x3FB2]  }
0x2f: {  	lr =	sadd.s32 s0, s3;
	s0 =	sld [smem:$0x3FA9]  }
0x30: {  	s3 =	sld [smem:$0x3FAC]  }
0x31: {  	[smem:$0x3FB5] =	sst s10  }
0x32: {  	s10 =	sld [smem:$0x3FB3];
	_ =	sdelay $0x3  }
0x33: {  	p0 =	seq.s32 s10, $0x1;
	s10 =	sld [smem:$0x3FB5];
	_ =	sdelay $0x3  }
0x34: {  	[smem:$0x3FB5] =	sst s10  }
0x35: {  	s10 =	sld [smem:$0x3FB4];
	_ =	sdelay $0x3  }
0x36: {  	p1 =	seq.s32 s10, $0x1;
	s10 =	sld [smem:$0x3FB5];
	_ =	sdelay $0x3  }
0x37: {  	[smem:$0x3FB5] =	sst s10  }
0x38: {  	s10 =	sld [smem:$0x3FB6]  }
0x39: {  	_ = 	snop;
	(pc) =	sbr.ind lr, $3  }
0x3a: {  	_ = 	snop  }
0x3b: {  	_ = 	snop  }
0x3c: {  	p2 =	seq.s32 s10, $0x1;
	s10 =	sld [smem:$0x3FB5]  }
0x3d: {  	_ =	shalt  }
0x3e: {  	_ =	shalt  }
0x3f: {  	_ =	shalt  }
0x40: {  	_ =	shalt  }
0x41: {  	_ =	shalt  }
0x42: {  	_ =	shalt  }
0x43: {  	_ =	shalt  }
0x44: {  	_ =	shalt  }
0x45: {  	_ =	shalt  }
0x46: {  	_ =	shalt  }
0x47: {  	_ =	shalt  }
0x48: {  	_ =	shalt  }
0x49: {  	_ =	shalt  }
0x4a: {  	_ =	shalt  }
0x4b: {  	_ =	shalt  }
0x4c: {  	_ =	shalt  }
0x4d: {  	_ =	shalt  }
0x4e: {  	_ =	shalt  }
0x4f: {  	_ =	shalt  }
0x50: {  	_ =	shalt  }
0x51: {  	_ =	shalt  }
0x52: {  	_ =	shalt  }
0x53: {  	_ =	shalt  }
0x54: {  	_ =	shalt  }
0x55: {  	_ =	shalt  }
0x56: {  	_ =	shalt  }
0x57: {  	_ =	shalt  }
0x58: {  	_ =	shalt  }
0x59: {  	_ =	shalt  }
0x5a: {  	_ =	shalt  }
0x5b: {  	_ =	shalt  }
0x5c: {  	_ =	shalt  }
0x5d: {  	_ =	shalt  }
0x5e: {  	_ =	shalt  }
0x5f: {  	_ =	shalt  }
0x60: {  	_ =	shalt  }
0x61: {  	_ =	shalt  }
0x62: {  	_ =	shalt  }
0x63: {  	_ =	shalt  }
0x64: {  	_ =	shalt  }
0x65: {  	_ =	shalt  }
0x66: {  	_ =	shalt  }
0x67: {  	_ =	shalt  }
0x68: {  	_ =	shalt  }
0x69: {  	_ =	shalt  }
0x6a: {  	_ =	shalt  }
0x6b: {  	_ =	shalt  }
0x6c: {  	_ =	shalt  }
0x6d: {  	_ =	shalt  }
0x6e: {  	_ =	shalt  }
0x6f: {  	_ =	shalt  }
0x70: {  	_ =	shalt  }
0x71: {  	_ =	shalt  }
0x72: {  	_ =	shalt  }
0x73: {  	_ =	shalt  }
0x74: {  	_ =	shalt  }
0x75: {  	_ =	shalt  }
0x76: {  	_ =	shalt  }
0x77: {  	_ =	shalt  }
0x78: {  	_ =	shalt  }
0x79: {  	_ =	shalt  }
0x7a: {  	_ =	shalt  }
0x7b: {  	_ =	shalt  }
0x7c: {  	_ =	shalt  }
0x7d: {  	_ =	shalt  }
0x7e: {  	_ =	shalt  }
0x7f: {  	_ =	shalt  }
0x80: {  	_ =	shalt  }
0x81: {  	_ =	shalt  }
0x82: {  	_ =	shalt  }
0x83: {  	_ =	shalt  }
0x84: {  	_ =	shalt  }
0x85: {  	_ =	shalt  }
0x86: {  	_ =	shalt  }
0x87: {  	_ =	shalt  }
.Lfunc_end0:
.L_simem_size_0:
called_computation.2_lowered:
.L_overlay_start_0:
0x88: {  	s2 =	sld [smem:$0x3FD9]  }
0x89: {  	s3 =	sld [smem:$0x3FFE];
	_ =	sdelay $0x1  }
0x8a: {  	s1 =	srdreg.scid  }
0x8b: {  	s0 =	sand.u32 $0x1, s1  }
0x8c: {  	s17 =	sshll.u32 s0, $0xA;
	s2 =	sadd.s32 s3, s2  }
0x8d: {  	s2 =	sadd.s32 s2, s17  }
0x8e: {  	[smem:$0x3FC1] =	sst s2  }
0x8f: {  	_ = 	snop  }
0x90: {  	s2 =	sld [smem:$0x3FD0];
	(tm) =	ssettm $0x1  }
0x91: {  	s18 =	sld [smem:$0x3FFB];
	_ =	sdelay $0x3  }
0x92: {  	_ =	strace s18  }
0x93: {  	s3 =	sld [smem:$0x3FFC];
	_ =	sdelay $0x3  }
0x94: {  	_ =	strace s3  }
0x95: {  	s3 =	sld [smem:$0x3FFD];
	_ =	sdelay $0x3  }
0x96: {  	_ =	strace s3  }
0x97: {  	_ =	strace $0x8FFFFFFF  }
0x98: {  	s19 =	sld [smem:$0x3FDB];
	_ =	sdelay $0x1  }
0x99: {  	s4 =	simm.s32 $_scs_section_size  }
0x9a: {  	s5 =	simm.s32 $_size__tile_overlayer_lowered;
	s6 =	simm.s32 $_tile_overlayer_lowered  }
0x9b: {  	s22 =	simm.s32 $0x1BFF;
	s21 =	sshll.u32 s6, $0x1;
	s3 =	sadd.s32 s4, s19  }
0x9c: {  	s7 =	simm.s32 $0x0;
	s20 =	sshll.u32 s5, $0x1;
	s5 =	sadd.s32 s21, s3  }
0x9d: {  	[timem:s7], [sflag:s22] =	dma.local [hbm:s5], s20  }
0x9e: {  	_ =	swait.ge [sflag:s22], s20  }
0x9f: {  	s4 =	ssub.s32 $0x0, s20;
	[sflag:s22] =	ssyncset.done $0x0  }
0xa0: {  	[sflag:s22] =	ssyncadd.s32 s4;
	_ =	sdelay $0x1  }
0xa1: {  	s23 =	simm.s32 $0x1B8B  }
0xa2: {  	_ =	swait.ge [sflag:s23], $0x1  }
0xa3: {  	[sflag:s23] =	ssyncset.done $0x0  }
0xa4: {  	s25 =	simm.s32 $0x1B8E;
	s24 =	sld [smem:$0x3FFE];
	[sflag:s23] =	ssyncadd.s32 $0xFFFFFFFF  }
0xa5: {  	s26 =	simm.s32 $execute0_lowered;
	[smem:$0x3FD2] =	sst s25  }
0xa6: {  	s5 =	sshll.u32 s26, $0x1;
	_ =	strace $0x8000004C;
	[dreg:$0x1] =	wrdreg $0xFFFFFFFF  }
0xa7: {  	s28 =	simm.s32 $_size_execute0_lowered;
	s3 =	sadd.s32 s3, s5;
	[dreg:$0x0] =	wrdreg $0x0  }
0xa8: {  	s5 =	sshll.u32 s28, $0x1;
	[dreg:$0x2] =	wrdreg s3  }
0xa9: {  	[dreg:$0x3] =	wrdreg s5  }
0xaa: {  	[dreg:$0x4] =	wrdreg $0xC0  }
0xab: {  	_ =	task [dreg:s7], $0x5FFFF  }
0xac: {  	[dreg:$0x1] =	wrdreg $0xFFFFFFFF  }
0xad: {  	[dreg:$0x0] =	wrdreg $0x60  }
0xae: {  	[dreg:$0x2] =	wrdreg s24  }
0xaf: {  	[dreg:$0x3] =	wrdreg s2  }
0xb0: {  	[dreg:$0x4] =	wrdreg $0x0  }
0xb1: {  	[dreg:$0x5] =	wrdreg $0x9  }
0xb2: {  	_ =	task.clear_ibuf [dreg:s7], $0x6FFFF;
	_ =	strace $0x9000004C  }
0xb3: {  	s29 =	simm.s32 $0x9;
	_ =	strace $0x8000004E  }
0xb4: {  	_ =	swait.ge [sflag:s29], $0x1  }
0xb5: {  	[sflag:s29] =	ssyncadd.s32 $0xFFFFFFFF  }
0xb6: {  	_ =	strace $0x9000004E  }
0xb7: {  	_ =	sfence  }
0xb8: {  	s30 =	sld [smem:$0x0];
	_ =	sdelay $0x2  }
0xb9: {  	s31 =	sshll.u32 s1, $0xD;
	s1 =	sshrl.u32 s1, $0x2  }
0xba: {  	s3 =	sand.u32 $0x4000, s31;
	s1 =	sadd.s32 s1, s30  }
0xbb: {  	s0 =	sor.u32 s3, s0;
	s1 =	sshll.u32 s1, $0x11  }
0xbc: {  	s0 =	sor.u32 s1, s0  }
0xbd: {  	s0 =	sadd.s32 $0x8F2B, s0  }
0xbe: {  	[sflag:s0] =	ssyncadd.remote.s32 $0x1  }
0xbf: {  	_ =	sfence.sel $0xFFFF  }
0xc0: {  	[dreg:$0x0] =	wrdreg $0xFFFFFFFF;
	(pc) =	sbr.abs _section_cstart, $3  }
0xc1: {  	[dreg:$0x1] =	wrdreg $0xFFFFFFFF  }
0xc2: {  	_ =	task.clear_ibuf [dreg:s7], $0x2FFFF;
	_ =	strace $0x9FFFFFFF  }
0xc3: {  	(tm) =	ssettm $0x7FFFFFFF  }
tec
execute0_lowered:
.L_overlay_start_1:
0x0: {  	(tag) =	ssettag $0x1  }
0x1: {  	s5 =	rddreg [dreg:$0x0]  }
0x2: {  	s10 =	rddreg [dreg:$0x1];
	s1 =	srdreg.scid  }
0x3: {  	s0 =	stileid.u32;
	s2 =	rddreg [dreg:$0x2];
	s3 =	simm.s32 $0x0  }
0x4: {  	s15 =	simm.s32 $0x1C000;
	s16 =	simm.s32 $0x80;
	s17 =	simm.s32 $0x1C100  }
0x5: {  	s18 =	simm.s32 $0x18000;
	s19 =	simm.s32 $0x1;
	s20 =	simm.s32 $0x1C080  }
0x6: {  	s21 =	simm.s32 $0x2;
	s22 =	simm.s32 $0x1C180;
	s6 =	smul.u32 $0x2800, s0  }
0x7: {  	s13 =	sand.u32 $0x1, s1;
	s1 =	rddreg [dreg:$0x3];
	s8 =	smul.u32 $0x50000, s0  }
0x8: {  	s23 =	simm.s32 $0x0;
	[smem:$0x7FF] =	sst s3;
	s14 =	smul.u32 $0x13C0, s0  }
0x9: {  	s4 =	sadd.s32 $0x4B200, s5;
	s7 =	smul.u32 $0x28000, s13;
	_ =	strace $0x8000004D  }
0xa: {  	s30 =	ssub.s32 $0x2, s13;
	p0 =	sne.s32 s13, $0x0;
	s13 =	simm.s32 $0x14000  }
.Ltmp0:
0xb: {  	s8 =	sshrl.u32 s8, $0x2;
	s31 =	sshrl.u32 s30, $0x1;
	(pc) =	sbr.rel .LBB2_1-.Ltmp0, $4  }
0xc: {  	s10 =	sadd.s32 s10, s14;
	s14 =	simm.s32 $0x3;
	s6 =	sadd.s32 s6, s7  }
0xd: {  	s12 =	ssub.s32 s30, s31;
	s11 =	sadd.s32 s6, s5;
	s5 =	sadd.s32 s8, s2  }
0xe: {  	s12 =	smax.u32 s12, $0x1;
	s6 =	sadd.s32 $0x4000, s5;
	s7 =	sadd.s32 $0x8000, s5  }
0xf: {  	v0 =	vimm.f32 $0.0e+00;
	v1 =	vimm.f32 $1.000000000e+00;
	s8 =	sadd.s32 $0xC000, s5;
	s9 =	sadd.s32 $0x10000, s5;
	s11 =	sadd.s32 $0x73200, s11  }
.LBB2_11:
0x10: {  	s24 =	sadd.s32 s24, s10;
	[sflag:s14] =	ssyncadd.s32 $0xFFFFC000  }
0x11: {  	[tilespmem:s15], [sflag:$0x3] =	stream.linear.gather [hbm4b:s24+s3], $0x100, $0x38;
	[tilespmem:$0x1C200] =	vst v63  }
0x12: {  	_ =	swait.ge [sflag:s14], $0x100  }
0x13: {  	[sflag:s14] =	ssyncset.done $0x0  }
0x14: {  	[sflag:s14] =	ssyncadd.s32 $0xFFFFFF00  }
0x15: {  	[spmem:s2] =	stream.indirect.scatter.add.f32 [tilespmem:s13], [sflag:$0x3], $0x80, s20, s16, $0xb8;
	[tilespmem:$0x1C200] =	vst v63  }
0x16: {  	_ =	swait.ge [sflag:s14], $0x4000  }
0x17: {  	[sflag:s14] =	ssyncset.done $0x0  }
0x18: {  	[sflag:s14] =	ssyncadd.s32 $0xFFFFC000  }
.LBB2_12:
0x19: {  	s23 =	sadd.s32 $0x1, s23  }
0x1a: {  	s24 =	sshll.u32 s0, $0x6;
	[bflag:$0x0] =	sbarrier.arrive $0xFFFF;
	p1 =	sne.s32 s23, s12  }
.Ltmp1:
0x1b: {  	s25 =	sshrl.u32 s5, $0x3;
	s24 =	sor.u32 $0x1C03, s24;
	(pc) =	sbr.rel @!p1 .LBB2_13-.Ltmp1, $4  }
0x1c: {  	[hbm:s11], [sflag:s24] =	dma.local [spmem:s25], $0x2800  }
0x1d: {  	_ =	swait.ge [sflag:s14], $0x2800  }
0x1e: {  	[sflag:s14] =	ssyncset.done $0x0  }
0x1f: {  	[sflag:s14] =	ssyncadd.s32 $0xFFFFD800  }
.LBB2_1:
0x20: {  	s24 =	simm.s32 $0x0;
	s25 =	simm.s32 $0x200  }
.LBB2_2:
0x21: {  	p1 =	sne.s32 s25, $0xFE00;
	[tilespmem:s24+$0x14070] =	vst v0  }
0x22: {  	[tilespmem:s24+$0x14000] =	vst v0  }
0x23: {  	[tilespmem:s24+$0x14010] =	vst v0  }
.Ltmp2:
0x24: {  	[tilespmem:s24+$0x14020] =	vst v0;
	(pc) =	sbr.rel @p1 .LBB2_2-.Ltmp2, $4  }
0x25: {  	[tilespmem:s24+$0x14030] =	vst v0  }
0x26: {  	[tilespmem:s24+$0x14040] =	vst v0  }
0x27: {  	[tilespmem:s24+$0x14050] =	vst v0  }
0x28: {  	[tilespmem:s24+$0x14060] =	vst v0;
	s24 =	sshra.s32 s25, $0x2;
	s25 =	sadd.s32 $0x200, s25  }
0x29: {  	[tilespmem:s24+$0x14070] =	vst v0  }
0x2a: {  	[tilespmem:s24+$0x14000] =	vst v0  }
0x2b: {  	[tilespmem:s24+$0x14010] =	vst v0  }
0x2c: {  	[tilespmem:s24+$0x14020] =	vst v0  }
0x2d: {  	[tilespmem:s24+$0x14030] =	vst v0  }
0x2e: {  	[tilespmem:s24+$0x14040] =	vst v0  }
0x2f: {  	[tilespmem:s24+$0x14050] =	vst v0  }
0x30: {  	[tilespmem:s24+$0x14060] =	vst v0  }
0x31: {  	[spmem:s5] =	stream.linear.scatter [tilespmem:s13], [sflag:$0x3], $0x4000, $0x38;
	[tilespmem:$0x1C200] =	vst v63  }
0x32: {  	_ =	swait.ge [sflag:s14], $0x4000  }
0x33: {  	[sflag:s14] =	ssyncset.done $0x0  }
0x34: {  	[sflag:s14] =	ssyncadd.s32 $0xFFFFC000  }
0x35: {  	[spmem:s6] =	stream.linear.scatter [tilespmem:s13], [sflag:$0x3], $0x4000, $0x38;
	[tilespmem:$0x1C200] =	vst v63  }
0x36: {  	_ =	swait.ge [sflag:s14], $0x4000  }
0x37: {  	[sflag:s14] =	ssyncset.done $0x0  }
0x38: {  	[sflag:s14] =	ssyncadd.s32 $0xFFFFC000  }
0x39: {  	[spmem:s7] =	stream.linear.scatter [tilespmem:s13], [sflag:$0x3], $0x4000, $0x38;
	[tilespmem:$0x1C200] =	vst v63  }
0x3a: {  	_ =	swait.ge [sflag:s14], $0x4000  }
0x3b: {  	[sflag:s14] =	ssyncset.done $0x0  }
0x3c: {  	[sflag:s14] =	ssyncadd.s32 $0xFFFFC000  }
0x3d: {  	[spmem:s8] =	stream.linear.scatter [tilespmem:s13], [sflag:$0x3], $0x4000, $0x38;
	[tilespmem:$0x1C200] =	vst v63  }
0x3e: {  	_ =	swait.ge [sflag:s14], $0x4000  }
0x3f: {  	[sflag:s14] =	ssyncset.done $0x0  }
.Ltmp3:
0x40: {  	[sflag:s14] =	ssyncadd.s32 $0xFFFFC000;
	(pc) =	sbr.rel @p0 .LBB2_7-.Ltmp3, $4  }
0x41: {  	[spmem:s9] =	stream.linear.scatter [tilespmem:s13], [sflag:$0x3], $0x4000, $0x38;
	[tilespmem:$0x1C200] =	vst v63  }
0x42: {  	_ =	swait.ge [sflag:s14], $0x4000  }
0x43: {  	[sflag:s14] =	ssyncset.done $0x0  }
0x44: {  	s25 =	simm.s32 $0x0;
	[sflag:s14] =	ssyncadd.s32 $0xFFFFC000  }
0x45: {  	[bflag:$0x0] =	sbarrier.arrive $0xFFFF  }
0x46: {  	[tilespmem:s15], [sflag:$0x3] =	stream.linear.gather [hbm4b:s10+s3], $0x100, $0x38;
	[tilespmem:$0x1C200] =	vst v63  }
0x47: {  	_ =	swait.ge [sflag:s14], $0x100  }
0x48: {  	[sflag:s14] =	ssyncset.done $0x0  }
0x49: {  	s24 =	sadd.s32 $0xFFFFEC40, s10;
	[sflag:s14] =	ssyncadd.s32 $0xFFFFFF00  }
0x4a: {  	[tilespmem:s13], [sflag:$0x1] =	stream.indirect.gather [hbm4b:s4+s16], $0x80, s15, s16, $0xb8;
	[tilespmem:$0x1C200] =	vst v63  }
0x4b: {  	s25 =	sadd.s32 $0x13E0, s24  }
0x4c: {  	[tilespmem:s17], [sflag:$0x3] =	stream.linear.gather [hbm4b:s25+s3], $0x100, $0x38;
	[tilespmem:$0x1C200] =	vst v63  }
0x4d: {  	_ =	swait.ge [sflag:s14], $0x100  }
0x4e: {  	[sflag:s14] =	ssyncset.done $0x0  }
0x4f: {  	[sflag:s14] =	ssyncadd.s32 $0xFFFFFF00  }
0x50: {  	[tilespmem:s18], [sflag:$0x2] =	stream.indirect.gather [hbm4b:s4+s16], $0x80, s17, s16, $0xb8;
	[tilespmem:$0x1C200] =	vst v63  }
0x51: {  	_ =	swait.ge [sflag:s19], $0x4000  }
0x52: {  	[sflag:s19] =	ssyncset.done $0x0  }
0x53: {  	[sflag:s19] =	ssyncadd.s32 $0xFFFFC000  }
0x54: {  	[spmem:s2] =	stream.indirect.scatter.add.f32 [tilespmem:s13], [sflag:$0x3], $0x80, s20, s16, $0xb8;
	[tilespmem:$0x1C200] =	vst v63  }
0x55: {  	_ =	swait.ge [sflag:s14], $0x4000  }
0x56: {  	[sflag:s14] =	ssyncset.done $0x0  }
0x57: {  	s24 =	sadd.s32 $0x1400, s24;
	[sflag:s14] =	ssyncadd.s32 $0xFFFFC000  }
0x58: {  	[tilespmem:s15], [sflag:$0x3] =	stream.linear.gather [hbm4b:s24+s3], $0x100, $0x38;
	[tilespmem:$0x1C200] =	vst v63  }
0x59: {  	_ =	swait.ge [sflag:s14], $0x100  }
0x5a: {  	[sflag:s14] =	ssyncset.done $0x0  }
0x5b: {  	[sflag:s14] =	ssyncadd.s32 $0xFFFFFF00  }
0x5c: {  	[tilespmem:s13], [sflag:$0x1] =	stream.indirect.gather [hbm4b:s4+s16], $0x80, s15, s16, $0xb8;
	[tilespmem:$0x1C200] =	vst v63  }
0x5d: {  	_ =	swait.ge [sflag:s21], $0x4000  }
0x5e: {  	[sflag:s21] =	ssyncset.done $0x0  }
0x5f: {  	[sflag:s21] =	ssyncadd.s32 $0xFFFFC000  }
0x60: {  	[spmem:s2] =	stream.indirect.scatter.add.f32 [tilespmem:s18], [sflag:$0x3], $0x80, s22, s16, $0xb8;
	[tilespmem:$0x1C200] =	vst v63  }
0x61: {  	_ =	swait.ge [sflag:s14], $0x4000  }
0x62: {  	s25 =	simm.s32 $0xFFFFECC0;
	s24 =	sadd.s32 $0xFFFFEC80, s10;
	[sflag:s14] =	ssyncset.done $0x0  }
.LBB2_5:
0x63: {  	s26 =	sadd.s32 $0x13E0, s24  }
0x64: {  	[sflag:s14] =	ssyncadd.s32 $0xFFFFC000;
	s28 =	smov.u32 s25;
	s29 =	sadd.s32 $0x40, s25  }
0x65: {  	[tilespmem:s17], [sflag:$0x3] =	stream.linear.gather [hbm4b:s26+s3], $0x100, $0x38;
	[tilespmem:$0x1C200] =	vst v63  }
0x66: {  	p1 =	sne.s32 s25, $0xFFFFFFC0;
	_ =	swait.ge [sflag:s14], $0x100  }
0x67: {  	[sflag:s14] =	ssyncset.done $0x0  }
0x68: {  	[sflag:s14] =	ssyncadd.s32 $0xFFFFFF00  }
0x69: {  	[tilespmem:s18], [sflag:$0x2] =	stream.indirect.gather [hbm4b:s4+s16], $0x80, s17, s16, $0xb8;
	[tilespmem:$0x1C200] =	vst v63  }
0x6a: {  	_ =	swait.ge [sflag:s19], $0x4000  }
0x6b: {  	[sflag:s19] =	ssyncset.done $0x0  }
0x6c: {  	[sflag:s19] =	ssyncadd.s32 $0xFFFFC000  }
0x6d: {  	[spmem:s2] =	stream.indirect.scatter.add.f32 [tilespmem:s13], [sflag:$0x3], $0x80, s20, s16, $0xb8;
	[tilespmem:$0x1C200] =	vst v63  }
0x6e: {  	_ =	swait.ge [sflag:s14], $0x4000  }
0x6f: {  	[sflag:s14] =	ssyncset.done $0x0  }
0x70: {  	s24 =	sadd.s32 $0x1400, s24;
	[sflag:s14] =	ssyncadd.s32 $0xFFFFC000  }
0x71: {  	[tilespmem:s15], [sflag:$0x3] =	stream.linear.gather [hbm4b:s24+s3], $0x100, $0x38;
	[tilespmem:$0x1C200] =	vst v63  }
0x72: {  	_ =	swait.ge [sflag:s14], $0x100  }
0x73: {  	[sflag:s14] =	ssyncset.done $0x0  }
0x74: {  	[sflag:s14] =	ssyncadd.s32 $0xFFFFFF00  }
0x75: {  	[tilespmem:s13], [sflag:$0x1] =	stream.indirect.gather [hbm4b:s4+s16], $0x80, s15, s16, $0xb8;
	[tilespmem:$0x1C200] =	vst v63  }
0x76: {  	_ =	swait.ge [sflag:s21], $0x4000  }
.Ltmp4:
0x77: {  	[sflag:s21] =	ssyncset.done $0x0;
	(pc) =	sbr.rel @p1 .LBB2_5-.Ltmp4, $4  }
0x78: {  	[sflag:s21] =	ssyncadd.s32 $0xFFFFC000  }
0x79: {  	[spmem:s2] =	stream.indirect.scatter.add.f32 [tilespmem:s18], [sflag:$0x3], $0x80, s22, s16, $0xb8;
	[tilespmem:$0x1C200] =	vst v63  }
0x7a: {  	_ =	swait.ge [sflag:s14], $0x4000  }
0x7b: {  	s25 =	smov.u32 s29;
	s24 =	sadd.s32 s28, s10;
	[sflag:s14] =	ssyncset.done $0x0  }
0x7c: {  	s25 =	sadd.s32 $0x13E0, s24;
	[sflag:s14] =	ssyncadd.s32 $0xFFFFC000  }
0x7d: {  	[tilespmem:s17], [sflag:$0x3] =	stream.linear.gather [hbm4b:s25+s3], $0x100, $0x38;
	[tilespmem:$0x1C200] =	vst v63  }
0x7e: {  	_ =	swait.ge [sflag:s14], $0x100  }
0x7f: {  	[sflag:s14] =	ssyncset.done $0x0  }
0x80: {  	[sflag:s14] =	ssyncadd.s32 $0xFFFFFF00  }
0x81: {  	[tilespmem:s18], [sflag:$0x2] =	stream.indirect.gather [hbm4b:s4+s16], $0x80, s17, s16, $0xb8;
	[tilespmem:$0x1C200] =	vst v63  }
0x82: {  	_ =	swait.ge [sflag:s19], $0x4000  }
0x83: {  	[sflag:s19] =	ssyncset.done $0x0  }
0x84: {  	[sflag:s19] =	ssyncadd.s32 $0xFFFFC000  }
0x85: {  	[spmem:s2] =	stream.indirect.scatter.add.f32 [tilespmem:s13], [sflag:$0x3], $0x80, s20, s16, $0xb8;
	[tilespmem:$0x1C200] =	vst v63  }
0x86: {  	_ =	swait.ge [sflag:s14], $0x4000  }
0x87: {  	[sflag:s14] =	ssyncset.done $0x0  }
0x88: {  	s31 =	sadd.s32 $0x1400, s24;
	[sflag:s14] =	ssyncadd.s32 $0xFFFFC000  }
0x89: {  	[tilespmem:s15], [sflag:$0x3] =	stream.linear.gather [hbm4b:s31+s3], $0x100, $0x38;
	[tilespmem:$0x1C200] =	vst v63  }
0x8a: {  	_ =	swait.ge [sflag:s14], $0x100  }
0x8b: {  	[sflag:s14] =	ssyncset.done $0x0  }
0x8c: {  	[sflag:s14] =	ssyncadd.s32 $0xFFFFFF00  }
0x8d: {  	[tilespmem:s13], [sflag:$0x1] =	stream.indirect.gather [hbm4b:s4+s16], $0x80, s15, s16, $0xb8;
	[tilespmem:$0x1C200] =	vst v63  }
0x8e: {  	_ =	swait.ge [sflag:s21], $0x4000  }
0x8f: {  	[sflag:s21] =	ssyncset.done $0x0  }
0x90: {  	[sflag:s21] =	ssyncadd.s32 $0xFFFFC000  }
0x91: {  	[spmem:s2] =	stream.indirect.scatter.add.f32 [tilespmem:s18], [sflag:$0x3], $0x80, s22, s16, $0xb8;
	[tilespmem:$0x1C200] =	vst v63  }
0x92: {  	_ =	swait.ge [sflag:s14], $0x4000  }
.Ltmp5:
0x93: {  	[sflag:s14] =	ssyncset.done $0x0;
	(pc) =	sbr.rel .LBB2_12-.Ltmp5, $4  }
0x94: {  	[sflag:s14] =	ssyncadd.s32 $0xFFFFC000  }
0x95: {  	_ =	swait.ge [sflag:s19], $0x4000  }
0x96: {  	[sflag:s19] =	ssyncset.done $0x0  }
0x97: {  	[sflag:s19] =	ssyncadd.s32 $0xFFFFC000  }
.LBB2_7:
0x98: {  	s24 =	sshra.s32 s25, $0x2;
	s25 =	sadd.s32 $0x200, s25  }
.LBB2_8:
0x99: {  	p1 =	sne.s32 s25, $0xFE00;
	[tilespmem:s24+$0x14070] =	vst v1  }
0x9a: {  	[tilespmem:s24+$0x14000] =	vst v1  }
0x9b: {  	[tilespmem:s24+$0x14010] =	vst v1  }
.Ltmp6:
0x9c: {  	[tilespmem:s24+$0x14020] =	vst v1;
	(pc) =	sbr.rel @p1 .LBB2_8-.Ltmp6, $4  }
0x9d: {  	[tilespmem:s24+$0x14030] =	vst v1  }
0x9e: {  	[tilespmem:s24+$0x14040] =	vst v1  }
0x9f: {  	[tilespmem:s24+$0x14050] =	vst v1  }
0xa0: {  	[tilespmem:s24+$0x14060] =	vst v1;
	s24 =	sshra.s32 s25, $0x2;
	s25 =	sadd.s32 $0x200, s25  }
0xa1: {  	[tilespmem:s24+$0x14070] =	vst v1  }
0xa2: {  	[tilespmem:s24+$0x14000] =	vst v1  }
0xa3: {  	[tilespmem:s24+$0x14010] =	vst v1  }
0xa4: {  	[tilespmem:s24+$0x14020] =	vst v1  }
0xa5: {  	[tilespmem:s24+$0x14030] =	vst v1  }
0xa6: {  	[tilespmem:s24+$0x14040] =	vst v1  }
0xa7: {  	[tilespmem:s24+$0x14050] =	vst v1  }
0xa8: {  	[tilespmem:s24+$0x14060] =	vst v1  }
0xa9: {  	s31 =	sadd.s32 $0x0, s10;
	[bflag:$0x0] =	sbarrier.arrive $0xFFFF  }
0xaa: {  	[tilespmem:s15], [sflag:$0x3] =	stream.linear.gather [hbm4b:s31+s3], $0x100, $0x38;
	[tilespmem:$0x1C200] =	vst v63  }
0xab: {  	_ =	swait.ge [sflag:s14], $0x100  }
0xac: {  	[sflag:s14] =	ssyncset.done $0x0  }
0xad: {  	[sflag:s14] =	ssyncadd.s32 $0xFFFFFF00  }
0xae: {  	[spmem:s2] =	stream.indirect.scatter.add.f32 [tilespmem:s13], [sflag:$0x3], $0x80, s20, s16, $0xb8;
	[tilespmem:$0x1C200] =	vst v63  }
0xaf: {  	_ =	swait.ge [sflag:s14], $0x4000  }
0xb0: {  	s24 =	simm.s32 $0x20;
	s25 =	simm.s32 $0x40;
	[sflag:s14] =	ssyncset.done $0x0  }
.LBB2_10:
0xb1: {  	s26 =	sadd.s32 s24, s10  }
0xb2: {  	[sflag:s14] =	ssyncadd.s32 $0xFFFFC000;
	s24 =	smov.u32 s25;
	s28 =	sadd.s32 $0x20, s25  }
0xb3: {  	[tilespmem:s15], [sflag:$0x3] =	stream.linear.gather [hbm4b:s26+s3], $0x100, $0x38;
	[tilespmem:$0x1C200] =	vst v63  }
0xb4: {  	p1 =	sne.s32 s25, $0x13A0;
	_ =	swait.ge [sflag:s14], $0x100  }
.Ltmp7:
0xb5: {  	[sflag:s14] =	ssyncset.done $0x0;
	(pc) =	sbr.rel @p1 .LBB2_10-.Ltmp7, $4  }
0xb6: {  	[sflag:s14] =	ssyncadd.s32 $0xFFFFFF00  }
0xb7: {  	[spmem:s2] =	stream.indirect.scatter.add.f32 [tilespmem:s13], [sflag:$0x3], $0x80, s20, s16, $0xb8;
	[tilespmem:$0x1C200] =	vst v63  }
0xb8: {  	_ =	swait.ge [sflag:s14], $0x4000  }
0xb9: {  	s25 =	smov.u32 s28;
	[sflag:s14] =	ssyncset.done $0x0  }
.Ltmp8:
0xba: {  	_ = 	snop;
	(pc) =	sbr.rel .LBB2_11-.Ltmp8, $1  }
0xbb: {  	_ =	sdelay $0x3  }
.LBB2_13:
0xbc: {  	_ =	sfence.sel $0x180000  }
0xbd: {  	[bflag:$0x0] =	sbarrier.arrive $0xFFFF  }
0xbe: {  	p0 =	sne.s32 s0, $0x0;
	_ =	strace $0x9000004D  }
0xbf: {  	s0 =	sadd.s32 @!p0 $0x100000, s1;
	[bflag:$0x2] =	sbarrier.arrive $0xFFFF  }
0xc0: {  	[sflag:s0] =	ssyncadd.tile.s32 @!p0 $0x1;
	_ =	shalt  }
.Lfunc_end2:
_tile_overlayer_lowered:
.L_overlay_start_2:
0xc1: {  	(tag) =	ssettag $0x2  }
0xc2: {  	s0 =	rddreg [dreg:$0x0];
	s2 =	stileid.u32  }
0xc3: {  	s1 =	rddreg [dreg:$0x1];
	p0 =	sne.s32 s2, $0x0  }
0xc4: {  	s3 =	rddreg [dreg:$0x2];
	[bflag:$0x3] =	sbarrier.arrive $0xFFFF;
	s2 =	simm.s32 @!p0 $0x1C03  }
0xc5: {  	[timem:s3], [sflag:s2] =	dma.local @!p0 [hbm:s0], s1  }
0xc6: {  	s0 =	simm.s32 @!p0 $0x3  }
0xc7: {  	_ =	swait.ge @!p0 [sflag:s0], s1  }
0xc8: {  	s1 =	ssub.s32 @!p0 $0x0, s1;
	[sflag:s0] =	ssyncset.done @!p0 $0x0  }
0xc9: {  	[sflag:s0] =	ssyncadd.s32 @!p0 s1  }
0xca: {  	[bflag:$0x3] =	sbarrier.arrive $0xFFFF  }
0xcb: {  	_ =	shalt  }

</sc_bundles>
